<compile_context>
chip_gen: v7x
topology: tpu7x:2x2x1
jax: 0.10.2.dev20260603
libtpu: 0.0.44.dev20260713+nightly
codegen_flags: <defaults>
</compile_context>

<pallas_src>
import functools

import jax
import jax.numpy as jnp
from jax import lax
from jax.experimental import pallas as pl
from jax.experimental.pallas import tpu as pltpu
from jax.experimental.pallas import tpu_sc as plsc

_NUM_NODES = 10000
_N_TOTAL = 10500
_D = 128
_E = 320000
_ALPHA = 0.2
_NPAD = 10624
_ROWS_PER_TILE = _NPAD // 16
_NW = 32
_EDGES_PER_TILE = _E // _NW
_C = 80
_NCHUNK = _EDGES_PER_TILE // _C
_MM_BLOCK = 1328
_VPE = _D // 16


def _sc_partial_segment_sum(x, src, dst, vals, zeros):
  mesh = plsc.VectorSubcoreMesh(core_axis_name="c", subcore_axis_name="s")

  @functools.partial(
      pl.kernel,
      mesh=mesh,
      out_type=jax.ShapeDtypeStruct((2, _NPAD, _D), jnp.float32),
      scratch_types=[
          pltpu.VMEM((_C,), jnp.int32),
          pltpu.VMEM((_C,), jnp.int32),
          pltpu.VMEM((_C + 16,), jnp.float32),
          pltpu.VMEM((_C, _D), jnp.float32),
          pltpu.VMEM_SHARED((_NPAD, _D), jnp.float32),
          pltpu.SemaphoreType.DMA,
      ],
  )
  def k(x_hbm, src_hbm, dst_hbm, vals_hbm, zeros_hbm, out_hbm,
        src_v, dst_v, vals_v, rows_v, acc_sh, sem):
    c = lax.axis_index("c")
    s = lax.axis_index("s")
    wid = s * 2 + c
    row0 = s * _ROWS_PER_TILE

    pltpu.sync_copy(zeros_hbm.at[pl.ds(row0, _ROWS_PER_TILE)],
                    acc_sh.at[pl.ds(row0, _ROWS_PER_TILE)])
    plsc.subcore_barrier()

    tile_base = wid * _EDGES_PER_TILE

    def chunk_body(j, carry):
      base = pl.multiple_of(tile_base + j * _C, 8)
      pltpu.sync_copy(src_hbm.at[pl.ds(base, _C)], src_v)
      pltpu.sync_copy(dst_hbm.at[pl.ds(base, _C)], dst_v)
      pltpu.sync_copy(vals_hbm.at[pl.ds(base, _C)], vals_v.at[pl.ds(0, _C)])
      pltpu.async_copy(x_hbm.at[src_v], rows_v, sem).wait()

      def edge_body(e, carry2):
        vv = vals_v[pl.ds(e, 16)][0]
        for d in range(_VPE):
          rows_v[e, pl.ds(d * 16, 16)] = rows_v[e, pl.ds(d * 16, 16)] * vv
        return carry2

      lax.fori_loop(0, _C, edge_body, 0)
      pltpu.sync_copy(rows_v, acc_sh.at[dst_v], add=True)
      return carry

    lax.fori_loop(0, _NCHUNK, chunk_body, 0)
    plsc.subcore_barrier()

    pltpu.sync_copy(acc_sh.at[pl.ds(row0, _ROWS_PER_TILE)],
                    out_hbm.at[c, pl.ds(row0, _ROWS_PER_TILE)])

  return k(x, src, dst, vals, zeros)


def _tc_layer(parts, w, normalize):

  def body(p_ref, w_ref, o_ref):
    sm = p_ref[0] + p_ref[1]
    y = jnp.dot(sm, w_ref[...], preferred_element_type=jnp.float32)
    y = jnp.where(y >= 0, y, _ALPHA * y)
    if normalize:
      nrm = jnp.sqrt(jnp.sum(y * y, axis=1, keepdims=True))
      y = y / jnp.maximum(nrm, 1e-12)
    o_ref[...] = y

  return pl.pallas_call(
      body,
      grid=(_NPAD // _MM_BLOCK,),
      in_specs=[
          pl.BlockSpec((2, _MM_BLOCK, _D), lambda i: (0, i, 0)),
          pl.BlockSpec((_D, _D), lambda i: (0, 0)),
      ],
      out_specs=pl.BlockSpec((_MM_BLOCK, _D), lambda i: (i, 0)),
      out_shape=jax.ShapeDtypeStruct((_NPAD, _D), jnp.float32),
  )(parts, w)


def kernel(entity_emb, relation_emb, adj_indices, adj_values, W1, W2):
  x = jnp.concatenate([entity_emb, relation_emb], axis=0)
  src = adj_indices[0]
  dst = adj_indices[1]
  zeros = jnp.zeros((_NPAD, _D), jnp.float32)

  p1 = _sc_partial_segment_sum(x, src, dst, adj_values, zeros)
  h1 = _tc_layer(p1, W1, normalize=False)
  p2 = _sc_partial_segment_sum(h1, src, dst, adj_values, zeros)
  out2 = _tc_layer(p2, W2, normalize=True)

  return (out2[:_NUM_NODES], out2[_NUM_NODES:_N_TOTAL])

# --- scband reference (transcript-rebuilt; emitter-appended) ---
"""Pipeline reference for scband-sp-kbgcn-4329327034642 (READ-ONLY COPY).

The authoritative reference and input builder live on the scoring server;
editing this copy changes nothing except your own understanding.
"""

import jax, jax.numpy as jnp
import numpy as np

NUM_NODES = 10000
NUM_REL = 500
N_TOTAL = NUM_NODES + NUM_REL
D_IN = 128
D1 = 128
D2 = 128
E = 320000
ALPHA = 0.2


def setup_inputs(seed: int = 0) -> dict:
    key = jax.random.key(seed)
    ks = jax.random.split(key, 6)
    entity_emb = jax.random.normal(ks[0], (NUM_NODES, D_IN), dtype=jnp.float32)
    relation_emb = jax.random.normal(ks[1], (NUM_REL, D_IN), dtype=jnp.float32)
    adj_indices = jax.random.randint(ks[2], (2, E), 0, N_TOTAL, dtype=jnp.int32)
    adj_values = jax.random.uniform(ks[3], (E,), dtype=jnp.float32)
    W1 = jax.random.normal(ks[4], (D_IN, D1), dtype=jnp.float32) * 0.05
    W2 = jax.random.normal(ks[5], (D1, D2), dtype=jnp.float32) * 0.05
    return {"entity_emb": entity_emb, "relation_emb": relation_emb,
            "adj_indices": adj_indices, "adj_values": adj_values,
            "W1": W1, "W2": W2}


def _sp_gcn_layer(h, adj_indices, adj_values, W):
    # sparse A @ h via gather + scatter-add (SparseCore-friendly)
    src = adj_indices[0]
    dst = adj_indices[1]
    msgs = jnp.take(h, src, axis=0) * adj_values[:, None]
    agg = jax.ops.segment_sum(msgs, dst, num_segments=N_TOTAL)
    out = agg @ W
    return jax.nn.leaky_relu(out, negative_slope=ALPHA)


def reference(entity_emb, relation_emb, adj_indices, adj_values, W1, W2):
    x = jnp.concatenate([entity_emb, relation_emb], axis=0)
    out_1 = _sp_gcn_layer(x, adj_indices, adj_values, W1)
    out_2 = _sp_gcn_layer(out_1, adj_indices, adj_values, W2)
    # F.normalize(out_2, p=2, dim=1)
    nrm = jnp.linalg.norm(out_2, axis=1, keepdims=True)
    out_2 = out_2 / jnp.clip(nrm, 1e-12, None)
    return (out_2[:NUM_NODES], out_2[NUM_NODES:])

if __name__ == "__main__":
    import jax
    _d = setup_inputs()
    print(jax.jit(kernel)(*tuple(_d.values())))

</pallas_src>

<mosaic_0001>
#map = affine_map<(d0, d1) -> (0, 0)>
#map1 = affine_map<(d0, d1) -> (0)>
#map2 = affine_map<(d0, d1) -> (0, 0, 0)>
module attributes {stable_mosaic.version = 14 : i64} {
  func.func @k(%arg0: i32, %arg1: i32, %arg2: memref<10624x128xf32, #tpu.memory_space<hbm>>, %arg3: memref<320000xi32, #tpu.memory_space<hbm>>, %arg4: memref<320000xi32, #tpu.memory_space<hbm>>, %arg5: memref<320000xf32, #tpu.memory_space<hbm>>, %arg6: memref<10624x128xf32, #tpu.memory_space<hbm>>, %arg7: memref<2x10624x128xf32, #tpu.memory_space<hbm>>, %arg8: memref<80xi32, #tpu.memory_space<vmem>>, %arg9: memref<80xi32, #tpu.memory_space<vmem>>, %arg10: memref<96xf32, #tpu.memory_space<vmem>>, %arg11: memref<80x128xf32, #tpu.memory_space<vmem>>, %arg12: memref<10624x128xf32, #tpu.memory_space<vmem_shared>>, %arg13: memref<!tpu.dma_semaphore, #tpu.memory_space<semaphore_mem>>) attributes {dimension_semantics = [#tpu.dimension_semantics<core_parallel>, #tpu.dimension_semantics<subcore_parallel>], iteration_bounds = array<i64: 2, 16>, scalar_prefetch = 0 : i64, scratch_operands = 6 : i64, tpu.core_type = #tpu.core_type<sc_vector_subcore>, window_params = [{transform_indices = #map}, {transform_indices = #map1}, {transform_indices = #map1}, {transform_indices = #map1}, {transform_indices = #map}, {transform_indices = #map2}]} {
    %mul3A = arith.constant 2 : i32
    %mul3A_0 = arith.muli %arg1, %mul3A : i32
    %add3A = arith.addi %mul3A_0, %arg0 : i32
    %mul3A_1 = arith.constant 664 : i32
    %mul3A_2 = arith.muli %arg1, %mul3A_1 : i32
    "tpu.region"() ({
      %run_scoped3A = tpu.sem_alloc : memref<!tpu.dma_semaphore, #tpu.memory_space<semaphore_mem>>
      %dma_start3A = arith.constant 0 : i32
      %dma_start3A_11 = tpu.memref_slice %arg12[%mul3A_2, %dma_start3A] : memref<10624x128xf32, #tpu.memory_space<vmem_shared>> -> memref<664x128xf32, #tpu.memory_space<vmem_shared>>
      %dma_start3A_12 = arith.constant 0 : i32
      %dma_start3A_13 = tpu.memref_slice %arg6[%mul3A_2, %dma_start3A_12] : memref<10624x128xf32, #tpu.memory_space<hbm>> -> memref<664x128xf32, #tpu.memory_space<hbm>>
      tpu.enqueue_dma source(%dma_start3A_13 : memref<664x128xf32, #tpu.memory_space<hbm>>) target(%dma_start3A_11 : memref<664x128xf32, #tpu.memory_space<vmem_shared>>) target_semaphore(%run_scoped3A : memref<!tpu.dma_semaphore, #tpu.memory_space<semaphore_mem>>)
      %dma_wait3A = arith.constant 0 : i32
      %dma_wait3A_14 = tpu.memref_slice %arg12[%mul3A_2, %dma_wait3A] : memref<10624x128xf32, #tpu.memory_space<vmem_shared>> -> memref<664x128xf32, #tpu.memory_space<vmem_shared>>
      %dma_wait3A_15 = arith.constant 0 : i32
      %dma_wait3A_16 = tpu.memref_slice %arg6[%mul3A_2, %dma_wait3A_15] : memref<10624x128xf32, #tpu.memory_space<hbm>> -> memref<664x128xf32, #tpu.memory_space<hbm>>
      tpu.wait_dma2 semaphore(%run_scoped3A : memref<!tpu.dma_semaphore, #tpu.memory_space<semaphore_mem>>) src(%dma_wait3A_16 : memref<664x128xf32, #tpu.memory_space<hbm>>) dst(%dma_wait3A_14 : memref<664x128xf32, #tpu.memory_space<vmem_shared>>)
      tpu.yield
    }) : () -> ()
    %barrier3A = arith.constant 0 : index
    tpu.barrier barrier_id(%barrier3A)
    %mul3A_3 = arith.constant 10000 : i32
    %mul3A_4 = arith.muli %add3A, %mul3A_3 : i32
    %scan3A = arith.constant 0 : i32
    %scan3A_5 = arith.constant 0 : i32
    %scan3A_6 = arith.constant 125 : i32
    %scan3A_7 = arith.addi %scan3A_5, %scan3A_6 : i32
    %scan3A_8 = arith.constant 1 : i32
    scf.for %scan3A_11 = %scan3A_5 to %scan3A_7 step %scan3A_8  : i32 {
      %mul3A_12 = arith.constant 80 : i32
      %mul3A_13 = arith.muli %scan3A_11, %mul3A_12 : i32
      %add3A_14 = arith.addi %mul3A_4, %mul3A_13 : i32
      %multiple_of3A = tpu.assume_multiple %add3A_14, 8 : i32
      "tpu.region"() ({
        %run_scoped3A = tpu.sem_alloc : memref<!tpu.dma_semaphore, #tpu.memory_space<semaphore_mem>>
        %dma_start3A_25 = tpu.memref_slice %arg3[%multiple_of3A] : memref<320000xi32, #tpu.memory_space<hbm>> -> memref<80xi32, #tpu.memory_space<hbm>>
        %dma_start3A_26 = tpu.memref_slice %arg3[%multiple_of3A] : memref<320000xi32, #tpu.memory_space<hbm>> -> memref<80xi32, #tpu.memory_space<hbm>>
        tpu.enqueue_dma source(%dma_start3A_26 : memref<80xi32, #tpu.memory_space<hbm>>) target(%arg8 : memref<80xi32, #tpu.memory_space<vmem>>) target_semaphore(%run_scoped3A : memref<!tpu.dma_semaphore, #tpu.memory_space<semaphore_mem>>)
        %dma_wait3A_27 = tpu.memref_slice %arg3[%multiple_of3A] : memref<320000xi32, #tpu.memory_space<hbm>> -> memref<80xi32, #tpu.memory_space<hbm>>
        %dma_wait3A_28 = tpu.memref_slice %arg3[%multiple_of3A] : memref<320000xi32, #tpu.memory_space<hbm>> -> memref<80xi32, #tpu.memory_space<hbm>>
        tpu.wait_dma2 semaphore(%run_scoped3A : memref<!tpu.dma_semaphore, #tpu.memory_space<semaphore_mem>>) src(%dma_wait3A_28 : memref<80xi32, #tpu.memory_space<hbm>>) dst(%arg8 : memref<80xi32, #tpu.memory_space<vmem>>)
        tpu.yield
      }) : () -> ()
      "tpu.region"() ({
        %run_scoped3A = tpu.sem_alloc : memref<!tpu.dma_semaphore, #tpu.memory_space<semaphore_mem>>
        %dma_start3A_25 = tpu.memref_slice %arg4[%multiple_of3A] : memref<320000xi32, #tpu.memory_space<hbm>> -> memref<80xi32, #tpu.memory_space<hbm>>
        %dma_start3A_26 = tpu.memref_slice %arg4[%multiple_of3A] : memref<320000xi32, #tpu.memory_space<hbm>> -> memref<80xi32, #tpu.memory_space<hbm>>
        tpu.enqueue_dma source(%dma_start3A_26 : memref<80xi32, #tpu.memory_space<hbm>>) target(%arg9 : memref<80xi32, #tpu.memory_space<vmem>>) target_semaphore(%run_scoped3A : memref<!tpu.dma_semaphore, #tpu.memory_space<semaphore_mem>>)
        %dma_wait3A_27 = tpu.memref_slice %arg4[%multiple_of3A] : memref<320000xi32, #tpu.memory_space<hbm>> -> memref<80xi32, #tpu.memory_space<hbm>>
        %dma_wait3A_28 = tpu.memref_slice %arg4[%multiple_of3A] : memref<320000xi32, #tpu.memory_space<hbm>> -> memref<80xi32, #tpu.memory_space<hbm>>
        tpu.wait_dma2 semaphore(%run_scoped3A : memref<!tpu.dma_semaphore, #tpu.memory_space<semaphore_mem>>) src(%dma_wait3A_28 : memref<80xi32, #tpu.memory_space<hbm>>) dst(%arg9 : memref<80xi32, #tpu.memory_space<vmem>>)
        tpu.yield
      }) : () -> ()
      "tpu.region"() ({
        %run_scoped3A = tpu.sem_alloc : memref<!tpu.dma_semaphore, #tpu.memory_space<semaphore_mem>>
        %dma_start3A_25 = arith.constant 0 : i32
        %dma_start3A_26 = tpu.memref_slice %arg10[%dma_start3A_25] : memref<96xf32, #tpu.memory_space<vmem>> -> memref<80xf32, #tpu.memory_space<vmem>>
        %dma_start3A_27 = tpu.memref_slice %arg5[%multiple_of3A] : memref<320000xf32, #tpu.memory_space<hbm>> -> memref<80xf32, #tpu.memory_space<hbm>>
        %dma_start3A_28 = arith.constant 0 : i32
        %dma_start3A_29 = tpu.memref_slice %arg10[%dma_start3A_28] : memref<96xf32, #tpu.memory_space<vmem>> -> memref<80xf32, #tpu.memory_space<vmem>>
        %dma_start3A_30 = tpu.memref_slice %arg5[%multiple_of3A] : memref<320000xf32, #tpu.memory_space<hbm>> -> memref<80xf32, #tpu.memory_space<hbm>>
        tpu.enqueue_dma source(%dma_start3A_30 : memref<80xf32, #tpu.memory_space<hbm>>) target(%dma_start3A_29 : memref<80xf32, #tpu.memory_space<vmem>>) target_semaphore(%run_scoped3A : memref<!tpu.dma_semaphore, #tpu.memory_space<semaphore_mem>>)
        %dma_wait3A_31 = arith.constant 0 : i32
        %dma_wait3A_32 = tpu.memref_slice %arg10[%dma_wait3A_31] : memref<96xf32, #tpu.memory_space<vmem>> -> memref<80xf32, #tpu.memory_space<vmem>>
        %dma_wait3A_33 = tpu.memref_slice %arg5[%multiple_of3A] : memref<320000xf32, #tpu.memory_space<hbm>> -> memref<80xf32, #tpu.memory_space<hbm>>
        %dma_wait3A_34 = arith.constant 0 : i32
        %dma_wait3A_35 = tpu.memref_slice %arg10[%dma_wait3A_34] : memref<96xf32, #tpu.memory_space<vmem>> -> memref<80xf32, #tpu.memory_space<vmem>>
        %dma_wait3A_36 = tpu.memref_slice %arg5[%multiple_of3A] : memref<320000xf32, #tpu.memory_space<hbm>> -> memref<80xf32, #tpu.memory_space<hbm>>
        tpu.wait_dma2 semaphore(%run_scoped3A : memref<!tpu.dma_semaphore, #tpu.memory_space<semaphore_mem>>) src(%dma_wait3A_36 : memref<80xf32, #tpu.memory_space<hbm>>) dst(%dma_wait3A_35 : memref<80xf32, #tpu.memory_space<vmem>>)
        tpu.yield
      }) : () -> ()
      %dma_start3A = arith.constant 0 : i32
      %dma_start3A_15 = arith.constant 0 : i32
      %dma_start3A_16 = tpu.memref_slice %arg2[%dma_start3A, %dma_start3A_15] : memref<10624x128xf32, #tpu.memory_space<hbm>> -> memref<10624x128xf32, #tpu.memory_space<hbm>>
      tpu.enqueue_indirect_dma source(%dma_start3A_16 : memref<10624x128xf32, #tpu.memory_space<hbm>>) target(%arg11 : memref<80x128xf32, #tpu.memory_space<vmem>>) offsets(%arg8 : memref<80xi32, #tpu.memory_space<vmem>>) semaphore(%arg13 : memref<!tpu.dma_semaphore, #tpu.memory_space<semaphore_mem>>)
      %dma_wait3A = arith.constant 0 : i32
      %dma_wait3A_17 = arith.constant 0 : i32
      %dma_wait3A_18 = tpu.memref_slice %arg2[%dma_wait3A, %dma_wait3A_17] : memref<10624x128xf32, #tpu.memory_space<hbm>> -> memref<10624x128xf32, #tpu.memory_space<hbm>>
      tpu.wait_indirect_dma semaphore(%arg13 : memref<!tpu.dma_semaphore, #tpu.memory_space<semaphore_mem>>) src(%dma_wait3A_18 : memref<10624x128xf32, #tpu.memory_space<hbm>>) dst(%arg11 : memref<80x128xf32, #tpu.memory_space<vmem>>)
      %scan3A_19 = arith.constant 0 : i32
      %scan3A_20 = arith.constant 0 : i32
      %scan3A_21 = arith.constant 80 : i32
      %scan3A_22 = arith.addi %scan3A_20, %scan3A_21 : i32
      %scan3A_23 = arith.constant 1 : i32
      scf.for %scan3A_25 = %scan3A_20 to %scan3A_22 step %scan3A_23  : i32 {
        %get3A = arith.index_cast %scan3A_25 : i32 to index
        %get3A_26 = tpu.vector_load %arg10[%get3A] {strides = array<i32>} : memref<96xf32, #tpu.memory_space<vmem>>, vector<16xf32>,
        %get3A_27 = vector.shape_cast %get3A_26 : vector<16xf32> to vector<16xf32>
        %slice3A = vector.extract_strided_slice %get3A_27 {offsets = [0], sizes = [1], strides = [1]} : vector<16xf32> to vector<1xf32>
        %squeeze3A = vector.extract %slice3A[0] : f32 from vector<1xf32>
        %get3A_28 = arith.index_cast %scan3A_25 : i32 to index
        %get3A_29 = arith.constant 0 : index
        %get3A_30 = tpu.vector_load %arg11[%get3A_28, %get3A_29] {strides = array<i32>} : memref<80x128xf32, #tpu.memory_space<vmem>>, vector<1x16xf32>,
        %get3A_31 = vector.shape_cast %get3A_30 : vector<1x16xf32> to vector<16xf32>
        %mul3A_32 = vector.broadcast %squeeze3A : f32 to vector<16xf32>
        %mul3A_33 = arith.mulf %get3A_31, %mul3A_32 : vector<16xf32>
        %swap3A = arith.index_cast %scan3A_25 : i32 to index
        %swap3A_34 = arith.constant 0 : index
        %swap3A_35 = tpu.vector_load %arg11[%swap3A, %swap3A_34] {strides = array<i32>} : memref<80x128xf32, #tpu.memory_space<vmem>>, vector<1x16xf32>,
        %swap3A_36 = vector.shape_cast %swap3A_35 : vector<1x16xf32> to vector<16xf32>
        %swap3A_37 = vector.shape_cast %mul3A_33 : vector<16xf32> to vector<1x16xf32>
        tpu.vector_store %arg11[%swap3A, %swap3A_34], %swap3A_37 {strides = array<i32>} : memref<80x128xf32, #tpu.memory_space<vmem>>, vector<1x16xf32>,
        %get3A_38 = arith.index_cast %scan3A_25 : i32 to index
        %get3A_39 = arith.constant 16 : index
        %get3A_40 = tpu.vector_load %arg11[%get3A_38, %get3A_39] {strides = array<i32>} : memref<80x128xf32, #tpu.memory_space<vmem>>, vector<1x16xf32>,
        %get3A_41 = vector.shape_cast %get3A_40 : vector<1x16xf32> to vector<16xf32>
        %mul3A_42 = vector.broadcast %squeeze3A : f32 to vector<16xf32>
        %mul3A_43 = arith.mulf %get3A_41, %mul3A_42 : vector<16xf32>
        %swap3A_44 = arith.index_cast %scan3A_25 : i32 to index
        %swap3A_45 = arith.constant 16 : index
        %swap3A_46 = tpu.vector_load %arg11[%swap3A_44, %swap3A_45] {strides = array<i32>} : memref<80x128xf32, #tpu.memory_space<vmem>>, vector<1x16xf32>,
        %swap3A_47 = vector.shape_cast %swap3A_46 : vector<1x16xf32> to vector<16xf32>
        %swap3A_48 = vector.shape_cast %mul3A_43 : vector<16xf32> to vector<1x16xf32>
        tpu.vector_store %arg11[%swap3A_44, %swap3A_45], %swap3A_48 {strides = array<i32>} : memref<80x128xf32, #tpu.memory_space<vmem>>, vector<1x16xf32>,
        %get3A_49 = arith.index_cast %scan3A_25 : i32 to index
        %get3A_50 = arith.constant 32 : index
        %get3A_51 = tpu.vector_load %arg11[%get3A_49, %get3A_50] {strides = array<i32>} : memref<80x128xf32, #tpu.memory_space<vmem>>, vector<1x16xf32>,
        %get3A_52 = vector.shape_cast %get3A_51 : vector<1x16xf32> to vector<16xf32>
        %mul3A_53 = vector.broadcast %squeeze3A : f32 to vector<16xf32>
        %mul3A_54 = arith.mulf %get3A_52, %mul3A_53 : vector<16xf32>
        %swap3A_55 = arith.index_cast %scan3A_25 : i32 to index
        %swap3A_56 = arith.constant 32 : index
        %swap3A_57 = tpu.vector_load %arg11[%swap3A_55, %swap3A_56] {strides = array<i32>} : memref<80x128xf32, #tpu.memory_space<vmem>>, vector<1x16xf32>,
        %swap3A_58 = vector.shape_cast %swap3A_57 : vector<1x16xf32> to vector<16xf32>
        %swap3A_59 = vector.shape_cast %mul3A_54 : vector<16xf32> to vector<1x16xf32>
        tpu.vector_store %arg11[%swap3A_55, %swap3A_56], %swap3A_59 {strides = array<i32>} : memref<80x128xf32, #tpu.memory_space<vmem>>, vector<1x16xf32>,
        %get3A_60 = arith.index_cast %scan3A_25 : i32 to index
        %get3A_61 = arith.constant 48 : index
        %get3A_62 = tpu.vector_load %arg11[%get3A_60, %get3A_61] {strides = array<i32>} : memref<80x128xf32, #tpu.memory_space<vmem>>, vector<1x16xf32>,
        %get3A_63 = vector.shape_cast %get3A_62 : vector<1x16xf32> to vector<16xf32>
        %mul3A_64 = vector.broadcast %squeeze3A : f32 to vector<16xf32>
        %mul3A_65 = arith.mulf %get3A_63, %mul3A_64 : vector<16xf32>
        %swap3A_66 = arith.index_cast %scan3A_25 : i32 to index
        %swap3A_67 = arith.constant 48 : index
        %swap3A_68 = tpu.vector_load %arg11[%swap3A_66, %swap3A_67] {strides = array<i32>} : memref<80x128xf32, #tpu.memory_space<vmem>>, vector<1x16xf32>,
        %swap3A_69 = vector.shape_cast %swap3A_68 : vector<1x16xf32> to vector<16xf32>
        %swap3A_70 = vector.shape_cast %mul3A_65 : vector<16xf32> to vector<1x16xf32>
        tpu.vector_store %arg11[%swap3A_66, %swap3A_67], %swap3A_70 {strides = array<i32>} : memref<80x128xf32, #tpu.memory_space<vmem>>, vector<1x16xf32>,
        %get3A_71 = arith.index_cast %scan3A_25 : i32 to index
        %get3A_72 = arith.constant 64 : index
        %get3A_73 = tpu.vector_load %arg11[%get3A_71, %get3A_72] {strides = array<i32>} : memref<80x128xf32, #tpu.memory_space<vmem>>, vector<1x16xf32>,
        %get3A_74 = vector.shape_cast %get3A_73 : vector<1x16xf32> to vector<16xf32>
        %mul3A_75 = vector.broadcast %squeeze3A : f32 to vector<16xf32>
        %mul3A_76 = arith.mulf %get3A_74, %mul3A_75 : vector<16xf32>
        %swap3A_77 = arith.index_cast %scan3A_25 : i32 to index
        %swap3A_78 = arith.constant 64 : index
        %swap3A_79 = tpu.vector_load %arg11[%swap3A_77, %swap3A_78] {strides = array<i32>} : memref<80x128xf32, #tpu.memory_space<vmem>>, vector<1x16xf32>,
        %swap3A_80 = vector.shape_cast %swap3A_79 : vector<1x16xf32> to vector<16xf32>
        %swap3A_81 = vector.shape_cast %mul3A_76 : vector<16xf32> to vector<1x16xf32>
        tpu.vector_store %arg11[%swap3A_77, %swap3A_78], %swap3A_81 {strides = array<i32>} : memref<80x128xf32, #tpu.memory_space<vmem>>, vector<1x16xf32>,
        %get3A_82 = arith.index_cast %scan3A_25 : i32 to index
        %get3A_83 = arith.constant 80 : index
        %get3A_84 = tpu.vector_load %arg11[%get3A_82, %get3A_83] {strides = array<i32>} : memref<80x128xf32, #tpu.memory_space<vmem>>, vector<1x16xf32>,
        %get3A_85 = vector.shape_cast %get3A_84 : vector<1x16xf32> to vector<16xf32>
        %mul3A_86 = vector.broadcast %squeeze3A : f32 to vector<16xf32>
        %mul3A_87 = arith.mulf %get3A_85, %mul3A_86 : vector<16xf32>
        %swap3A_88 = arith.index_cast %scan3A_25 : i32 to index
        %swap3A_89 = arith.constant 80 : index
        %swap3A_90 = tpu.vector_load %arg11[%swap3A_88, %swap3A_89] {strides = array<i32>} : memref<80x128xf32, #tpu.memory_space<vmem>>, vector<1x16xf32>,
        %swap3A_91 = vector.shape_cast %swap3A_90 : vector<1x16xf32> to vector<16xf32>
        %swap3A_92 = vector.shape_cast %mul3A_87 : vector<16xf32> to vector<1x16xf32>
        tpu.vector_store %arg11[%swap3A_88, %swap3A_89], %swap3A_92 {strides = array<i32>} : memref<80x128xf32, #tpu.memory_space<vmem>>, vector<1x16xf32>,
        %get3A_93 = arith.index_cast %scan3A_25 : i32 to index
        %get3A_94 = arith.constant 96 : index
        %get3A_95 = tpu.vector_load %arg11[%get3A_93, %get3A_94] {strides = array<i32>} : memref<80x128xf32, #tpu.memory_space<vmem>>, vector<1x16xf32>,
        %get3A_96 = vector.shape_cast %get3A_95 : vector<1x16xf32> to vector<16xf32>
        %mul3A_97 = vector.broadcast %squeeze3A : f32 to vector<16xf32>
        %mul3A_98 = arith.mulf %get3A_96, %mul3A_97 : vector<16xf32>
        %swap3A_99 = arith.index_cast %scan3A_25 : i32 to index
        %swap3A_100 = arith.constant 96 : index
        %swap3A_101 = tpu.vector_load %arg11[%swap3A_99, %swap3A_100] {strides = array<i32>} : memref<80x128xf32, #tpu.memory_space<vmem>>, vector<1x16xf32>,
        %swap3A_102 = vector.shape_cast %swap3A_101 : vector<1x16xf32> to vector<16xf32>
        %swap3A_103 = vector.shape_cast %mul3A_98 : vector<16xf32> to vector<1x16xf32>
        tpu.vector_store %arg11[%swap3A_99, %swap3A_100], %swap3A_103 {strides = array<i32>} : memref<80x128xf32, #tpu.memory_space<vmem>>, vector<1x16xf32>,
        %get3A_104 = arith.index_cast %scan3A_25 : i32 to index
        %get3A_105 = arith.constant 112 : index
        %get3A_106 = tpu.vector_load %arg11[%get3A_104, %get3A_105] {strides = array<i32>} : memref<80x128xf32, #tpu.memory_space<vmem>>, vector<1x16xf32>,
        %get3A_107 = vector.shape_cast %get3A_106 : vector<1x16xf32> to vector<16xf32>
        %mul3A_108 = vector.broadcast %squeeze3A : f32 to vector<16xf32>
        %mul3A_109 = arith.mulf %get3A_107, %mul3A_108 : vector<16xf32>
        %swap3A_110 = arith.index_cast %scan3A_25 : i32 to index
        %swap3A_111 = arith.constant 112 : index
        %swap3A_112 = tpu.vector_load %arg11[%swap3A_110, %swap3A_111] {strides = array<i32>} : memref<80x128xf32, #tpu.memory_space<vmem>>, vector<1x16xf32>,
        %swap3A_113 = vector.shape_cast %swap3A_112 : vector<1x16xf32> to vector<16xf32>
        %swap3A_114 = vector.shape_cast %mul3A_109 : vector<16xf32> to vector<1x16xf32>
        tpu.vector_store %arg11[%swap3A_110, %swap3A_111], %swap3A_114 {strides = array<i32>} : memref<80x128xf32, #tpu.memory_space<vmem>>, vector<1x16xf32>,
      }
      %scan3A_24 = arith.constant 80 : i32
      "tpu.region"() ({
        %run_scoped3A = tpu.sem_alloc : memref<!tpu.dma_semaphore, #tpu.memory_space<semaphore_mem>>
        %dma_start3A_25 = arith.constant 0 : i32
        %dma_start3A_26 = arith.constant 0 : i32
        %dma_start3A_27 = tpu.memref_slice %arg12[%dma_start3A_25, %dma_start3A_26] : memref<10624x128xf32, #tpu.memory_space<vmem_shared>> -> memref<10624x128xf32, #tpu.memory_space<vmem_shared>>
        tpu.enqueue_indirect_dma source(%arg11 : memref<80x128xf32, #tpu.memory_space<vmem>>) target(%dma_start3A_27 : memref<10624x128xf32, #tpu.memory_space<vmem_shared>>) offsets(%arg9 : memref<80xi32, #tpu.memory_space<vmem>>) semaphore(%run_scoped3A : memref<!tpu.dma_semaphore, #tpu.memory_space<semaphore_mem>>) {add = true}
        %dma_wait3A_28 = arith.constant 0 : i32
        %dma_wait3A_29 = arith.constant 0 : i32
        %dma_wait3A_30 = tpu.memref_slice %arg12[%dma_wait3A_28, %dma_wait3A_29] : memref<10624x128xf32, #tpu.memory_space<vmem_shared>> -> memref<10624x128xf32, #tpu.memory_space<vmem_shared>>
        tpu.wait_indirect_dma semaphore(%run_scoped3A : memref<!tpu.dma_semaphore, #tpu.memory_space<semaphore_mem>>) src(%arg11 : memref<80x128xf32, #tpu.memory_space<vmem>>) dst(%dma_wait3A_30 : memref<10624x128xf32, #tpu.memory_space<vmem_shared>>)
        tpu.yield
      }) : () -> ()
    }
    %scan3A_9 = arith.constant 125 : i32
    %barrier3A_10 = arith.constant 0 : index
    tpu.barrier barrier_id(%barrier3A_10)
    "tpu.region"() ({
      %run_scoped3A = tpu.sem_alloc : memref<!tpu.dma_semaphore, #tpu.memory_space<semaphore_mem>>
      %dma_start3A = arith.constant 0 : i32
      %dma_start3A_11 = tpu.memref_slice %arg7[%arg0, %mul3A_2, %dma_start3A] : memref<2x10624x128xf32, #tpu.memory_space<hbm>> -> memref<1x664x128xf32, #tpu.memory_space<hbm>>
      %dma_start3A_12 = tpu.memref_squeeze %dma_start3A_11 : memref<1x664x128xf32, #tpu.memory_space<hbm>> -> memref<664x128xf32, #tpu.memory_space<hbm>>
      %dma_start3A_13 = arith.constant 0 : i32
      %dma_start3A_14 = tpu.memref_slice %arg12[%mul3A_2, %dma_start3A_13] : memref<10624x128xf32, #tpu.memory_space<vmem_shared>> -> memref<664x128xf32, #tpu.memory_space<vmem_shared>>
      tpu.enqueue_dma source(%dma_start3A_14 : memref<664x128xf32, #tpu.memory_space<vmem_shared>>) target(%dma_start3A_12 : memref<664x128xf32, #tpu.memory_space<hbm>>) target_semaphore(%run_scoped3A : memref<!tpu.dma_semaphore, #tpu.memory_space<semaphore_mem>>)
      %dma_wait3A = arith.constant 0 : i32
      %dma_wait3A_15 = tpu.memref_slice %arg7[%arg0, %mul3A_2, %dma_wait3A] : memref<2x10624x128xf32, #tpu.memory_space<hbm>> -> memref<1x664x128xf32, #tpu.memory_space<hbm>>
      %dma_wait3A_16 = tpu.memref_squeeze %dma_wait3A_15 : memref<1x664x128xf32, #tpu.memory_space<hbm>> -> memref<664x128xf32, #tpu.memory_space<hbm>>
      %dma_wait3A_17 = arith.constant 0 : i32
      %dma_wait3A_18 = tpu.memref_slice %arg12[%mul3A_2, %dma_wait3A_17] : memref<10624x128xf32, #tpu.memory_space<vmem_shared>> -> memref<664x128xf32, #tpu.memory_space<vmem_shared>>
      tpu.wait_dma2 semaphore(%run_scoped3A : memref<!tpu.dma_semaphore, #tpu.memory_space<semaphore_mem>>) src(%dma_wait3A_18 : memref<664x128xf32, #tpu.memory_space<vmem_shared>>) dst(%dma_wait3A_16 : memref<664x128xf32, #tpu.memory_space<hbm>>)
      tpu.yield
    }) : () -> ()
    return
  }
}

#map = affine_map<(d0, d1) -> (0, 0)>
#map1 = affine_map<(d0, d1) -> (0)>
#map2 = affine_map<(d0, d1) -> (0, 0, 0)>
module attributes {stable_mosaic.version = 14 : i64} {
  func.func @k(%arg0: i32, %arg1: i32, %arg2: memref<10500x128xf32, #tpu.memory_space<hbm>>, %arg3: memref<320000xi32, #tpu.memory_space<hbm>>, %arg4: memref<320000xi32, #tpu.memory_space<hbm>>, %arg5: memref<320000xf32, #tpu.memory_space<hbm>>, %arg6: memref<10624x128xf32, #tpu.memory_space<hbm>>, %arg7: memref<2x10624x128xf32, #tpu.memory_space<hbm>>, %arg8: memref<80xi32, #tpu.memory_space<vmem>>, %arg9: memref<80xi32, #tpu.memory_space<vmem>>, %arg10: memref<96xf32, #tpu.memory_space<vmem>>, %arg11: memref<80x128xf32, #tpu.memory_space<vmem>>, %arg12: memref<10624x128xf32, #tpu.memory_space<vmem_shared>>, %arg13: memref<!tpu.dma_semaphore, #tpu.memory_space<semaphore_mem>>) attributes {dimension_semantics = [#tpu.dimension_semantics<core_parallel>, #tpu.dimension_semantics<subcore_parallel>], iteration_bounds = array<i64: 2, 16>, scalar_prefetch = 0 : i64, scratch_operands = 6 : i64, tpu.core_type = #tpu.core_type<sc_vector_subcore>, window_params = [{transform_indices = #map}, {transform_indices = #map1}, {transform_indices = #map1}, {transform_indices = #map1}, {transform_indices = #map}, {transform_indices = #map2}]} {
    %mul3A = arith.constant 2 : i32
    %mul3A_0 = arith.muli %arg1, %mul3A : i32
    %add3A = arith.addi %mul3A_0, %arg0 : i32
    %mul3A_1 = arith.constant 664 : i32
    %mul3A_2 = arith.muli %arg1, %mul3A_1 : i32
    "tpu.region"() ({
      %run_scoped3A = tpu.sem_alloc : memref<!tpu.dma_semaphore, #tpu.memory_space<semaphore_mem>>
      %dma_start3A = arith.constant 0 : i32
      %dma_start3A_11 = tpu.memref_slice %arg12[%mul3A_2, %dma_start3A] : memref<10624x128xf32, #tpu.memory_space<vmem_shared>> -> memref<664x128xf32, #tpu.memory_space<vmem_shared>>
      %dma_start3A_12 = arith.constant 0 : i32
      %dma_start3A_13 = tpu.memref_slice %arg6[%mul3A_2, %dma_start3A_12] : memref<10624x128xf32, #tpu.memory_space<hbm>> -> memref<664x128xf32, #tpu.memory_space<hbm>>
      tpu.enqueue_dma source(%dma_start3A_13 : memref<664x128xf32, #tpu.memory_space<hbm>>) target(%dma_start3A_11 : memref<664x128xf32, #tpu.memory_space<vmem_shared>>) target_semaphore(%run_scoped3A : memref<!tpu.dma_semaphore, #tpu.memory_space<semaphore_mem>>)
      %dma_wait3A = arith.constant 0 : i32
      %dma_wait3A_14 = tpu.memref_slice %arg12[%mul3A_2, %dma_wait3A] : memref<10624x128xf32, #tpu.memory_space<vmem_shared>> -> memref<664x128xf32, #tpu.memory_space<vmem_shared>>
      %dma_wait3A_15 = arith.constant 0 : i32
      %dma_wait3A_16 = tpu.memref_slice %arg6[%mul3A_2, %dma_wait3A_15] : memref<10624x128xf32, #tpu.memory_space<hbm>> -> memref<664x128xf32, #tpu.memory_space<hbm>>
      tpu.wait_dma2 semaphore(%run_scoped3A : memref<!tpu.dma_semaphore, #tpu.memory_space<semaphore_mem>>) src(%dma_wait3A_16 : memref<664x128xf32, #tpu.memory_space<hbm>>) dst(%dma_wait3A_14 : memref<664x128xf32, #tpu.memory_space<vmem_shared>>)
      tpu.yield
    }) : () -> ()
    %barrier3A = arith.constant 0 : index
    tpu.barrier barrier_id(%barrier3A)
    %mul3A_3 = arith.constant 10000 : i32
    %mul3A_4 = arith.muli %add3A, %mul3A_3 : i32
    %scan3A = arith.constant 0 : i32
    %scan3A_5 = arith.constant 0 : i32
    %scan3A_6 = arith.constant 125 : i32
    %scan3A_7 = arith.addi %scan3A_5, %scan3A_6 : i32
    %scan3A_8 = arith.constant 1 : i32
    scf.for %scan3A_11 = %scan3A_5 to %scan3A_7 step %scan3A_8  : i32 {
      %mul3A_12 = arith.constant 80 : i32
      %mul3A_13 = arith.muli %scan3A_11, %mul3A_12 : i32
      %add3A_14 = arith.addi %mul3A_4, %mul3A_13 : i32
      %multiple_of3A = tpu.assume_multiple %add3A_14, 8 : i32
      "tpu.region"() ({
        %run_scoped3A = tpu.sem_alloc : memref<!tpu.dma_semaphore, #tpu.memory_space<semaphore_mem>>
        %dma_start3A_25 = tpu.memref_slice %arg3[%multiple_of3A] : memref<320000xi32, #tpu.memory_space<hbm>> -> memref<80xi32, #tpu.memory_space<hbm>>
        %dma_start3A_26 = tpu.memref_slice %arg3[%multiple_of3A] : memref<320000xi32, #tpu.memory_space<hbm>> -> memref<80xi32, #tpu.memory_space<hbm>>
        tpu.enqueue_dma source(%dma_start3A_26 : memref<80xi32, #tpu.memory_space<hbm>>) target(%arg8 : memref<80xi32, #tpu.memory_space<vmem>>) target_semaphore(%run_scoped3A : memref<!tpu.dma_semaphore, #tpu.memory_space<semaphore_mem>>)
        %dma_wait3A_27 = tpu.memref_slice %arg3[%multiple_of3A] : memref<320000xi32, #tpu.memory_space<hbm>> -> memref<80xi32, #tpu.memory_space<hbm>>
        %dma_wait3A_28 = tpu.memref_slice %arg3[%multiple_of3A] : memref<320000xi32, #tpu.memory_space<hbm>> -> memref<80xi32, #tpu.memory_space<hbm>>
        tpu.wait_dma2 semaphore(%run_scoped3A : memref<!tpu.dma_semaphore, #tpu.memory_space<semaphore_mem>>) src(%dma_wait3A_28 : memref<80xi32, #tpu.memory_space<hbm>>) dst(%arg8 : memref<80xi32, #tpu.memory_space<vmem>>)
        tpu.yield
      }) : () -> ()
      "tpu.region"() ({
        %run_scoped3A = tpu.sem_alloc : memref<!tpu.dma_semaphore, #tpu.memory_space<semaphore_mem>>
        %dma_start3A_25 = tpu.memref_slice %arg4[%multiple_of3A] : memref<320000xi32, #tpu.memory_space<hbm>> -> memref<80xi32, #tpu.memory_space<hbm>>
        %dma_start3A_26 = tpu.memref_slice %arg4[%multiple_of3A] : memref<320000xi32, #tpu.memory_space<hbm>> -> memref<80xi32, #tpu.memory_space<hbm>>
        tpu.enqueue_dma source(%dma_start3A_26 : memref<80xi32, #tpu.memory_space<hbm>>) target(%arg9 : memref<80xi32, #tpu.memory_space<vmem>>) target_semaphore(%run_scoped3A : memref<!tpu.dma_semaphore, #tpu.memory_space<semaphore_mem>>)
        %dma_wait3A_27 = tpu.memref_slice %arg4[%multiple_of3A] : memref<320000xi32, #tpu.memory_space<hbm>> -> memref<80xi32, #tpu.memory_space<hbm>>
        %dma_wait3A_28 = tpu.memref_slice %arg4[%multiple_of3A] : memref<320000xi32, #tpu.memory_space<hbm>> -> memref<80xi32, #tpu.memory_space<hbm>>
        tpu.wait_dma2 semaphore(%run_scoped3A : memref<!tpu.dma_semaphore, #tpu.memory_space<semaphore_mem>>) src(%dma_wait3A_28 : memref<80xi32, #tpu.memory_space<hbm>>) dst(%arg9 : memref<80xi32, #tpu.memory_space<vmem>>)
        tpu.yield
      }) : () -> ()
      "tpu.region"() ({
        %run_scoped3A = tpu.sem_alloc : memref<!tpu.dma_semaphore, #tpu.memory_space<semaphore_mem>>
        %dma_start3A_25 = arith.constant 0 : i32
        %dma_start3A_26 = tpu.memref_slice %arg10[%dma_start3A_25] : memref<96xf32, #tpu.memory_space<vmem>> -> memref<80xf32, #tpu.memory_space<vmem>>
        %dma_start3A_27 = tpu.memref_slice %arg5[%multiple_of3A] : memref<320000xf32, #tpu.memory_space<hbm>> -> memref<80xf32, #tpu.memory_space<hbm>>
        %dma_start3A_28 = arith.constant 0 : i32
        %dma_start3A_29 = tpu.memref_slice %arg10[%dma_start3A_28] : memref<96xf32, #tpu.memory_space<vmem>> -> memref<80xf32, #tpu.memory_space<vmem>>
        %dma_start3A_30 = tpu.memref_slice %arg5[%multiple_of3A] : memref<320000xf32, #tpu.memory_space<hbm>> -> memref<80xf32, #tpu.memory_space<hbm>>
        tpu.enqueue_dma source(%dma_start3A_30 : memref<80xf32, #tpu.memory_space<hbm>>) target(%dma_start3A_29 : memref<80xf32, #tpu.memory_space<vmem>>) target_semaphore(%run_scoped3A : memref<!tpu.dma_semaphore, #tpu.memory_space<semaphore_mem>>)
        %dma_wait3A_31 = arith.constant 0 : i32
        %dma_wait3A_32 = tpu.memref_slice %arg10[%dma_wait3A_31] : memref<96xf32, #tpu.memory_space<vmem>> -> memref<80xf32, #tpu.memory_space<vmem>>
        %dma_wait3A_33 = tpu.memref_slice %arg5[%multiple_of3A] : memref<320000xf32, #tpu.memory_space<hbm>> -> memref<80xf32, #tpu.memory_space<hbm>>
        %dma_wait3A_34 = arith.constant 0 : i32
        %dma_wait3A_35 = tpu.memref_slice %arg10[%dma_wait3A_34] : memref<96xf32, #tpu.memory_space<vmem>> -> memref<80xf32, #tpu.memory_space<vmem>>
        %dma_wait3A_36 = tpu.memref_slice %arg5[%multiple_of3A] : memref<320000xf32, #tpu.memory_space<hbm>> -> memref<80xf32, #tpu.memory_space<hbm>>
        tpu.wait_dma2 semaphore(%run_scoped3A : memref<!tpu.dma_semaphore, #tpu.memory_space<semaphore_mem>>) src(%dma_wait3A_36 : memref<80xf32, #tpu.memory_space<hbm>>) dst(%dma_wait3A_35 : memref<80xf32, #tpu.memory_space<vmem>>)
        tpu.yield
      }) : () -> ()
      %dma_start3A = arith.constant 0 : i32
      %dma_start3A_15 = arith.constant 0 : i32
      %dma_start3A_16 = tpu.memref_slice %arg2[%dma_start3A, %dma_start3A_15] : memref<10500x128xf32, #tpu.memory_space<hbm>> -> memref<10500x128xf32, #tpu.memory_space<hbm>>
      tpu.enqueue_indirect_dma source(%dma_start3A_16 : memref<10500x128xf32, #tpu.memory_space<hbm>>) target(%arg11 : memref<80x128xf32, #tpu.memory_space<vmem>>) offsets(%arg8 : memref<80xi32, #tpu.memory_space<vmem>>) semaphore(%arg13 : memref<!tpu.dma_semaphore, #tpu.memory_space<semaphore_mem>>)
      %dma_wait3A = arith.constant 0 : i32
      %dma_wait3A_17 = arith.constant 0 : i32
      %dma_wait3A_18 = tpu.memref_slice %arg2[%dma_wait3A, %dma_wait3A_17] : memref<10500x128xf32, #tpu.memory_space<hbm>> -> memref<10500x128xf32, #tpu.memory_space<hbm>>
      tpu.wait_indirect_dma semaphore(%arg13 : memref<!tpu.dma_semaphore, #tpu.memory_space<semaphore_mem>>) src(%dma_wait3A_18 : memref<10500x128xf32, #tpu.memory_space<hbm>>) dst(%arg11 : memref<80x128xf32, #tpu.memory_space<vmem>>)
      %scan3A_19 = arith.constant 0 : i32
      %scan3A_20 = arith.constant 0 : i32
      %scan3A_21 = arith.constant 80 : i32
      %scan3A_22 = arith.addi %scan3A_20, %scan3A_21 : i32
      %scan3A_23 = arith.constant 1 : i32
      scf.for %scan3A_25 = %scan3A_20 to %scan3A_22 step %scan3A_23  : i32 {
        %get3A = arith.index_cast %scan3A_25 : i32 to index
        %get3A_26 = tpu.vector_load %arg10[%get3A] {strides = array<i32>} : memref<96xf32, #tpu.memory_space<vmem>>, vector<16xf32>,
        %get3A_27 = vector.shape_cast %get3A_26 : vector<16xf32> to vector<16xf32>
        %slice3A = vector.extract_strided_slice %get3A_27 {offsets = [0], sizes = [1], strides = [1]} : vector<16xf32> to vector<1xf32>
        %squeeze3A = vector.extract %slice3A[0] : f32 from vector<1xf32>
        %get3A_28 = arith.index_cast %scan3A_25 : i32 to index
        %get3A_29 = arith.constant 0 : index
        %get3A_30 = tpu.vector_load %arg11[%get3A_28, %get3A_29] {strides = array<i32>} : memref<80x128xf32, #tpu.memory_space<vmem>>, vector<1x16xf32>,
        %get3A_31 = vector.shape_cast %get3A_30 : vector<1x16xf32> to vector<16xf32>
        %mul3A_32 = vector.broadcast %squeeze3A : f32 to vector<16xf32>
        %mul3A_33 = arith.mulf %get3A_31, %mul3A_32 : vector<16xf32>
        %swap3A = arith.index_cast %scan3A_25 : i32 to index
        %swap3A_34 = arith.constant 0 : index
        %swap3A_35 = tpu.vector_load %arg11[%swap3A, %swap3A_34] {strides = array<i32>} : memref<80x128xf32, #tpu.memory_space<vmem>>, vector<1x16xf32>,
        %swap3A_36 = vector.shape_cast %swap3A_35 : vector<1x16xf32> to vector<16xf32>
        %swap3A_37 = vector.shape_cast %mul3A_33 : vector<16xf32> to vector<1x16xf32>
        tpu.vector_store %arg11[%swap3A, %swap3A_34], %swap3A_37 {strides = array<i32>} : memref<80x128xf32, #tpu.memory_space<vmem>>, vector<1x16xf32>,
        %get3A_38 = arith.index_cast %scan3A_25 : i32 to index
        %get3A_39 = arith.constant 16 : index
        %get3A_40 = tpu.vector_load %arg11[%get3A_38, %get3A_39] {strides = array<i32>} : memref<80x128xf32, #tpu.memory_space<vmem>>, vector<1x16xf32>,
        %get3A_41 = vector.shape_cast %get3A_40 : vector<1x16xf32> to vector<16xf32>
        %mul3A_42 = vector.broadcast %squeeze3A : f32 to vector<16xf32>
        %mul3A_43 = arith.mulf %get3A_41, %mul3A_42 : vector<16xf32>
        %swap3A_44 = arith.index_cast %scan3A_25 : i32 to index
        %swap3A_45 = arith.constant 16 : index
        %swap3A_46 = tpu.vector_load %arg11[%swap3A_44, %swap3A_45] {strides = array<i32>} : memref<80x128xf32, #tpu.memory_space<vmem>>, vector<1x16xf32>,
        %swap3A_47 = vector.shape_cast %swap3A_46 : vector<1x16xf32> to vector<16xf32>
        %swap3A_48 = vector.shape_cast %mul3A_43 : vector<16xf32> to vector<1x16xf32>
        tpu.vector_store %arg11[%swap3A_44, %swap3A_45], %swap3A_48 {strides = array<i32>} : memref<80x128xf32, #tpu.memory_space<vmem>>, vector<1x16xf32>,
        %get3A_49 = arith.index_cast %scan3A_25 : i32 to index
        %get3A_50 = arith.constant 32 : index
        %get3A_51 = tpu.vector_load %arg11[%get3A_49, %get3A_50] {strides = array<i32>} : memref<80x128xf32, #tpu.memory_space<vmem>>, vector<1x16xf32>,
        %get3A_52 = vector.shape_cast %get3A_51 : vector<1x16xf32> to vector<16xf32>
        %mul3A_53 = vector.broadcast %squeeze3A : f32 to vector<16xf32>
        %mul3A_54 = arith.mulf %get3A_52, %mul3A_53 : vector<16xf32>
        %swap3A_55 = arith.index_cast %scan3A_25 : i32 to index
        %swap3A_56 = arith.constant 32 : index
        %swap3A_57 = tpu.vector_load %arg11[%swap3A_55, %swap3A_56] {strides = array<i32>} : memref<80x128xf32, #tpu.memory_space<vmem>>, vector<1x16xf32>,
        %swap3A_58 = vector.shape_cast %swap3A_57 : vector<1x16xf32> to vector<16xf32>
        %swap3A_59 = vector.shape_cast %mul3A_54 : vector<16xf32> to vector<1x16xf32>
        tpu.vector_store %arg11[%swap3A_55, %swap3A_56], %swap3A_59 {strides = array<i32>} : memref<80x128xf32, #tpu.memory_space<vmem>>, vector<1x16xf32>,
        %get3A_60 = arith.index_cast %scan3A_25 : i32 to index
        %get3A_61 = arith.constant 48 : index
        %get3A_62 = tpu.vector_load %arg11[%get3A_60, %get3A_61] {strides = array<i32>} : memref<80x128xf32, #tpu.memory_space<vmem>>, vector<1x16xf32>,
        %get3A_63 = vector.shape_cast %get3A_62 : vector<1x16xf32> to vector<16xf32>
        %mul3A_64 = vector.broadcast %squeeze3A : f32 to vector<16xf32>
        %mul3A_65 = arith.mulf %get3A_63, %mul3A_64 : vector<16xf32>
        %swap3A_66 = arith.index_cast %scan3A_25 : i32 to index
        %swap3A_67 = arith.constant 48 : index
        %swap3A_68 = tpu.vector_load %arg11[%swap3A_66, %swap3A_67] {strides = array<i32>} : memref<80x128xf32, #tpu.memory_space<vmem>>, vector<1x16xf32>,
        %swap3A_69 = vector.shape_cast %swap3A_68 : vector<1x16xf32> to vector<16xf32>
        %swap3A_70 = vector.shape_cast %mul3A_65 : vector<16xf32> to vector<1x16xf32>
        tpu.vector_store %arg11[%swap3A_66, %swap3A_67], %swap3A_70 {strides = array<i32>} : memref<80x128xf32, #tpu.memory_space<vmem>>, vector<1x16xf32>,
        %get3A_71 = arith.index_cast %scan3A_25 : i32 to index
        %get3A_72 = arith.constant 64 : index
        %get3A_73 = tpu.vector_load %arg11[%get3A_71, %get3A_72] {strides = array<i32>} : memref<80x128xf32, #tpu.memory_space<vmem>>, vector<1x16xf32>,
        %get3A_74 = vector.shape_cast %get3A_73 : vector<1x16xf32> to vector<16xf32>
        %mul3A_75 = vector.broadcast %squeeze3A : f32 to vector<16xf32>
        %mul3A_76 = arith.mulf %get3A_74, %mul3A_75 : vector<16xf32>
        %swap3A_77 = arith.index_cast %scan3A_25 : i32 to index
        %swap3A_78 = arith.constant 64 : index
        %swap3A_79 = tpu.vector_load %arg11[%swap3A_77, %swap3A_78] {strides = array<i32>} : memref<80x128xf32, #tpu.memory_space<vmem>>, vector<1x16xf32>,
        %swap3A_80 = vector.shape_cast %swap3A_79 : vector<1x16xf32> to vector<16xf32>
        %swap3A_81 = vector.shape_cast %mul3A_76 : vector<16xf32> to vector<1x16xf32>
        tpu.vector_store %arg11[%swap3A_77, %swap3A_78], %swap3A_81 {strides = array<i32>} : memref<80x128xf32, #tpu.memory_space<vmem>>, vector<1x16xf32>,
        %get3A_82 = arith.index_cast %scan3A_25 : i32 to index
        %get3A_83 = arith.constant 80 : index
        %get3A_84 = tpu.vector_load %arg11[%get3A_82, %get3A_83] {strides = array<i32>} : memref<80x128xf32, #tpu.memory_space<vmem>>, vector<1x16xf32>,
        %get3A_85 = vector.shape_cast %get3A_84 : vector<1x16xf32> to vector<16xf32>
        %mul3A_86 = vector.broadcast %squeeze3A : f32 to vector<16xf32>
        %mul3A_87 = arith.mulf %get3A_85, %mul3A_86 : vector<16xf32>
        %swap3A_88 = arith.index_cast %scan3A_25 : i32 to index
        %swap3A_89 = arith.constant 80 : index
        %swap3A_90 = tpu.vector_load %arg11[%swap3A_88, %swap3A_89] {strides = array<i32>} : memref<80x128xf32, #tpu.memory_space<vmem>>, vector<1x16xf32>,
        %swap3A_91 = vector.shape_cast %swap3A_90 : vector<1x16xf32> to vector<16xf32>
        %swap3A_92 = vector.shape_cast %mul3A_87 : vector<16xf32> to vector<1x16xf32>
        tpu.vector_store %arg11[%swap3A_88, %swap3A_89], %swap3A_92 {strides = array<i32>} : memref<80x128xf32, #tpu.memory_space<vmem>>, vector<1x16xf32>,
        %get3A_93 = arith.index_cast %scan3A_25 : i32 to index
        %get3A_94 = arith.constant 96 : index
        %get3A_95 = tpu.vector_load %arg11[%get3A_93, %get3A_94] {strides = array<i32>} : memref<80x128xf32, #tpu.memory_space<vmem>>, vector<1x16xf32>,
        %get3A_96 = vector.shape_cast %get3A_95 : vector<1x16xf32> to vector<16xf32>
        %mul3A_97 = vector.broadcast %squeeze3A : f32 to vector<16xf32>
        %mul3A_98 = arith.mulf %get3A_96, %mul3A_97 : vector<16xf32>
        %swap3A_99 = arith.index_cast %scan3A_25 : i32 to index
        %swap3A_100 = arith.constant 96 : index
        %swap3A_101 = tpu.vector_load %arg11[%swap3A_99, %swap3A_100] {strides = array<i32>} : memref<80x128xf32, #tpu.memory_space<vmem>>, vector<1x16xf32>,
        %swap3A_102 = vector.shape_cast %swap3A_101 : vector<1x16xf32> to vector<16xf32>
        %swap3A_103 = vector.shape_cast %mul3A_98 : vector<16xf32> to vector<1x16xf32>
        tpu.vector_store %arg11[%swap3A_99, %swap3A_100], %swap3A_103 {strides = array<i32>} : memref<80x128xf32, #tpu.memory_space<vmem>>, vector<1x16xf32>,
        %get3A_104 = arith.index_cast %scan3A_25 : i32 to index
        %get3A_105 = arith.constant 112 : index
        %get3A_106 = tpu.vector_load %arg11[%get3A_104, %get3A_105] {strides = array<i32>} : memref<80x128xf32, #tpu.memory_space<vmem>>, vector<1x16xf32>,
        %get3A_107 = vector.shape_cast %get3A_106 : vector<1x16xf32> to vector<16xf32>
        %mul3A_108 = vector.broadcast %squeeze3A : f32 to vector<16xf32>
        %mul3A_109 = arith.mulf %get3A_107, %mul3A_108 : vector<16xf32>
        %swap3A_110 = arith.index_cast %scan3A_25 : i32 to index
        %swap3A_111 = arith.constant 112 : index
        %swap3A_112 = tpu.vector_load %arg11[%swap3A_110, %swap3A_111] {strides = array<i32>} : memref<80x128xf32, #tpu.memory_space<vmem>>, vector<1x16xf32>,
        %swap3A_113 = vector.shape_cast %swap3A_112 : vector<1x16xf32> to vector<16xf32>
        %swap3A_114 = vector.shape_cast %mul3A_109 : vector<16xf32> to vector<1x16xf32>
        tpu.vector_store %arg11[%swap3A_110, %swap3A_111], %swap3A_114 {strides = array<i32>} : memref<80x128xf32, #tpu.memory_space<vmem>>, vector<1x16xf32>,
      }
      %scan3A_24 = arith.constant 80 : i32
      "tpu.region"() ({
        %run_scoped3A = tpu.sem_alloc : memref<!tpu.dma_semaphore, #tpu.memory_space<semaphore_mem>>
        %dma_start3A_25 = arith.constant 0 : i32
        %dma_start3A_26 = arith.constant 0 : i32
        %dma_start3A_27 = tpu.memref_slice %arg12[%dma_start3A_25, %dma_start3A_26] : memref<10624x128xf32, #tpu.memory_space<vmem_shared>> -> memref<10624x128xf32, #tpu.memory_space<vmem_shared>>
        tpu.enqueue_indirect_dma source(%arg11 : memref<80x128xf32, #tpu.memory_space<vmem>>) target(%dma_start3A_27 : memref<10624x128xf32, #tpu.memory_space<vmem_shared>>) offsets(%arg9 : memref<80xi32, #tpu.memory_space<vmem>>) semaphore(%run_scoped3A : memref<!tpu.dma_semaphore, #tpu.memory_space<semaphore_mem>>) {add = true}
        %dma_wait3A_28 = arith.constant 0 : i32
        %dma_wait3A_29 = arith.constant 0 : i32
        %dma_wait3A_30 = tpu.memref_slice %arg12[%dma_wait3A_28, %dma_wait3A_29] : memref<10624x128xf32, #tpu.memory_space<vmem_shared>> -> memref<10624x128xf32, #tpu.memory_space<vmem_shared>>
        tpu.wait_indirect_dma semaphore(%run_scoped3A : memref<!tpu.dma_semaphore, #tpu.memory_space<semaphore_mem>>) src(%arg11 : memref<80x128xf32, #tpu.memory_space<vmem>>) dst(%dma_wait3A_30 : memref<10624x128xf32, #tpu.memory_space<vmem_shared>>)
        tpu.yield
      }) : () -> ()
    }
    %scan3A_9 = arith.constant 125 : i32
    %barrier3A_10 = arith.constant 0 : index
    tpu.barrier barrier_id(%barrier3A_10)
    "tpu.region"() ({
      %run_scoped3A = tpu.sem_alloc : memref<!tpu.dma_semaphore, #tpu.memory_space<semaphore_mem>>
      %dma_start3A = arith.constant 0 : i32
      %dma_start3A_11 = tpu.memref_slice %arg7[%arg0, %mul3A_2, %dma_start3A] : memref<2x10624x128xf32, #tpu.memory_space<hbm>> -> memref<1x664x128xf32, #tpu.memory_space<hbm>>
      %dma_start3A_12 = tpu.memref_squeeze %dma_start3A_11 : memref<1x664x128xf32, #tpu.memory_space<hbm>> -> memref<664x128xf32, #tpu.memory_space<hbm>>
      %dma_start3A_13 = arith.constant 0 : i32
      %dma_start3A_14 = tpu.memref_slice %arg12[%mul3A_2, %dma_start3A_13] : memref<10624x128xf32, #tpu.memory_space<vmem_shared>> -> memref<664x128xf32, #tpu.memory_space<vmem_shared>>
      tpu.enqueue_dma source(%dma_start3A_14 : memref<664x128xf32, #tpu.memory_space<vmem_shared>>) target(%dma_start3A_12 : memref<664x128xf32, #tpu.memory_space<hbm>>) target_semaphore(%run_scoped3A : memref<!tpu.dma_semaphore, #tpu.memory_space<semaphore_mem>>)
      %dma_wait3A = arith.constant 0 : i32
      %dma_wait3A_15 = tpu.memref_slice %arg7[%arg0, %mul3A_2, %dma_wait3A] : memref<2x10624x128xf32, #tpu.memory_space<hbm>> -> memref<1x664x128xf32, #tpu.memory_space<hbm>>
      %dma_wait3A_16 = tpu.memref_squeeze %dma_wait3A_15 : memref<1x664x128xf32, #tpu.memory_space<hbm>> -> memref<664x128xf32, #tpu.memory_space<hbm>>
      %dma_wait3A_17 = arith.constant 0 : i32
      %dma_wait3A_18 = tpu.memref_slice %arg12[%mul3A_2, %dma_wait3A_17] : memref<10624x128xf32, #tpu.memory_space<vmem_shared>> -> memref<664x128xf32, #tpu.memory_space<vmem_shared>>
      tpu.wait_dma2 semaphore(%run_scoped3A : memref<!tpu.dma_semaphore, #tpu.memory_space<semaphore_mem>>) src(%dma_wait3A_18 : memref<664x128xf32, #tpu.memory_space<vmem_shared>>) dst(%dma_wait3A_16 : memref<664x128xf32, #tpu.memory_space<hbm>>)
      tpu.yield
    }) : () -> ()
    return
  }
}

module attributes {stable_mosaic.version = 14 : i64} {
  func.func @body(%arg0: i32, %arg1: memref<2x1328x128xf32, #tpu.memory_space<vmem>>, %arg2: memref<128x128xf32, #tpu.memory_space<vmem>>, %arg3: memref<1328x128xf32, #tpu.memory_space<vmem>>) attributes {dimension_semantics = [#tpu.dimension_semantics<arbitrary>], iteration_bounds = array<i64: 8>, scalar_prefetch = 0 : i64, scratch_operands = 0 : i64, tpu.core_type = #tpu.core_type<tc>, window_params = [{transform_indices = @transform_0, window_bounds = array<i64: 2, 1328, 128>}, {pipeline_mode = #tpu.pipeline_mode<synchronous>, transform_indices = @transform_1, window_bounds = array<i64: 128, 128>}, {transform_indices = @transform_2, window_bounds = array<i64: 1328, 128>}]} {
    %get3A = arith.constant 0 : index
    %get3A_0 = arith.constant 0 : index
    %get3A_1 = arith.constant 0 : index
    %get3A_2 = vector.load %arg1[%get3A, %get3A_0, %get3A_1] : memref<2x1328x128xf32, #tpu.memory_space<vmem>>, vector<1x1328x128xf32>
    %get3A_3 = vector.shape_cast %get3A_2 : vector<1x1328x128xf32> to vector<1328x128xf32>
    %get3A_4 = arith.constant 1 : index
    %get3A_5 = arith.constant 0 : index
    %get3A_6 = arith.constant 0 : index
    %get3A_7 = vector.load %arg1[%get3A_4, %get3A_5, %get3A_6] : memref<2x1328x128xf32, #tpu.memory_space<vmem>>, vector<1x1328x128xf32>
    %get3A_8 = vector.shape_cast %get3A_7 : vector<1x1328x128xf32> to vector<1328x128xf32>
    %add3A = arith.addf %get3A_3, %get3A_8 : vector<1328x128xf32>
    %get3A_9 = arith.constant 0 : index
    %get3A_10 = arith.constant 0 : index
    %get3A_11 = vector.load %arg2[%get3A_9, %get3A_10] : memref<128x128xf32, #tpu.memory_space<vmem>>, vector<128x128xf32>
    %dot_general3A = arith.constant dense<0.000000e+00> : vector<1328x128xf32>
    %dot_general3A_12 = tpu.matmul %add3A, %get3A_11, %dot_general3A {dimension_numbers = #tpu.dot_dimension_numbers<[1], [0], [0], [1], [0, 0, 1, 1], [], []>, transpose_lhs_hint = false} : vector<1328x128xf32>, vector<128x128xf32>, vector<1328x128xf32> -> vector<1328x128xf32>
    %ge3A = arith.constant 0.000000e+00 : f32
    %ge3A_13 = vector.broadcast %ge3A : f32 to vector<1328x128xf32>
    %ge3A_14 = arith.cmpf oge, %dot_general3A_12, %ge3A_13 : vector<1328x128xf32>
    %mul3A = arith.constant 2.000000e-01 : f32
    %mul3A_15 = vector.broadcast %mul3A : f32 to vector<1328x128xf32>
    %mul3A_16 = arith.mulf %mul3A_15, %dot_general3A_12 : vector<1328x128xf32>
    %select_n3A = arith.select %ge3A_14, %dot_general3A_12, %mul3A_16 : vector<1328x128xi1>, vector<1328x128xf32>
    %swap3A = arith.constant 0 : index
    %swap3A_17 = arith.constant 0 : index
    %swap3A_18 = vector.load %arg3[%swap3A, %swap3A_17] : memref<1328x128xf32, #tpu.memory_space<vmem>>, vector<1328x128xf32>
    tpu.vector_store %arg3[%swap3A, %swap3A_17], %select_n3A {strides = array<i32>} : memref<1328x128xf32, #tpu.memory_space<vmem>>, vector<1328x128xf32>,
    return
  }
  func.func @transform_0(%arg0: i32) -> (i32, i32, i32) {
    %c0_i32 = arith.constant 0 : i32
    %c0_i32_0 = arith.constant 0 : i32
    %c0_i32_1 = arith.constant 0 : i32
    return %c0_i32, %arg0, %c0_i32_0 : i32, i32, i32
  }
  func.func @transform_1(%arg0: i32) -> (i32, i32) {
    %c0_i32 = arith.constant 0 : i32
    %c0_i32_0 = arith.constant 0 : i32
    %c0_i32_1 = arith.constant 0 : i32
    return %c0_i32, %c0_i32_0 : i32, i32
  }
  func.func @transform_2(%arg0: i32) -> (i32, i32) {
    %c0_i32 = arith.constant 0 : i32
    %c0_i32_0 = arith.constant 0 : i32
    return %arg0, %c0_i32 : i32, i32
  }
}

module attributes {stable_mosaic.version = 14 : i64} {
  func.func @body(%arg0: i32, %arg1: memref<2x1328x128xf32, #tpu.memory_space<vmem>>, %arg2: memref<128x128xf32, #tpu.memory_space<vmem>>, %arg3: memref<1328x128xf32, #tpu.memory_space<vmem>>) attributes {dimension_semantics = [#tpu.dimension_semantics<arbitrary>], iteration_bounds = array<i64: 8>, scalar_prefetch = 0 : i64, scratch_operands = 0 : i64, tpu.core_type = #tpu.core_type<tc>, window_params = [{transform_indices = @transform_0, window_bounds = array<i64: 2, 1328, 128>}, {pipeline_mode = #tpu.pipeline_mode<synchronous>, transform_indices = @transform_1, window_bounds = array<i64: 128, 128>}, {transform_indices = @transform_2, window_bounds = array<i64: 1328, 128>}]} {
    %get3A = arith.constant 0 : index
    %get3A_0 = arith.constant 0 : index
    %get3A_1 = arith.constant 0 : index
    %get3A_2 = vector.load %arg1[%get3A, %get3A_0, %get3A_1] : memref<2x1328x128xf32, #tpu.memory_space<vmem>>, vector<1x1328x128xf32>
    %get3A_3 = vector.shape_cast %get3A_2 : vector<1x1328x128xf32> to vector<1328x128xf32>
    %get3A_4 = arith.constant 1 : index
    %get3A_5 = arith.constant 0 : index
    %get3A_6 = arith.constant 0 : index
    %get3A_7 = vector.load %arg1[%get3A_4, %get3A_5, %get3A_6] : memref<2x1328x128xf32, #tpu.memory_space<vmem>>, vector<1x1328x128xf32>
    %get3A_8 = vector.shape_cast %get3A_7 : vector<1x1328x128xf32> to vector<1328x128xf32>
    %add3A = arith.addf %get3A_3, %get3A_8 : vector<1328x128xf32>
    %get3A_9 = arith.constant 0 : index
    %get3A_10 = arith.constant 0 : index
    %get3A_11 = vector.load %arg2[%get3A_9, %get3A_10] : memref<128x128xf32, #tpu.memory_space<vmem>>, vector<128x128xf32>
    %dot_general3A = arith.constant dense<0.000000e+00> : vector<1328x128xf32>
    %dot_general3A_12 = tpu.matmul %add3A, %get3A_11, %dot_general3A {dimension_numbers = #tpu.dot_dimension_numbers<[1], [0], [0], [1], [0, 0, 1, 1], [], []>, transpose_lhs_hint = false} : vector<1328x128xf32>, vector<128x128xf32>, vector<1328x128xf32> -> vector<1328x128xf32>
    %ge3A = arith.constant 0.000000e+00 : f32
    %ge3A_13 = vector.broadcast %ge3A : f32 to vector<1328x128xf32>
    %ge3A_14 = arith.cmpf oge, %dot_general3A_12, %ge3A_13 : vector<1328x128xf32>
    %mul3A = arith.constant 2.000000e-01 : f32
    %mul3A_15 = vector.broadcast %mul3A : f32 to vector<1328x128xf32>
    %mul3A_16 = arith.mulf %mul3A_15, %dot_general3A_12 : vector<1328x128xf32>
    %select_n3A = arith.select %ge3A_14, %dot_general3A_12, %mul3A_16 : vector<1328x128xi1>, vector<1328x128xf32>
    %mul3A_17 = arith.mulf %select_n3A, %select_n3A : vector<1328x128xf32>
    %reduce_sum3A = arith.constant dense<0.000000e+00> : vector<1328xf32>
    %reduce_sum3A_18 = vector.multi_reduction <add>, %mul3A_17, %reduce_sum3A [1] : vector<1328x128xf32> to vector<1328xf32>
    %broadcast_in_dim3A = vector.shape_cast %reduce_sum3A_18 : vector<1328xf32> to vector<1328x1xf32>
    %sqrt3A = math.sqrt %broadcast_in_dim3A : vector<1328x1xf32>
    %max3A = arith.constant 9.99999996E-13 : f32
    %max3A_19 = vector.broadcast %max3A : f32 to vector<1328x1xf32>
    %max3A_20 = arith.maximumf %sqrt3A, %max3A_19 : vector<1328x1xf32>
    %div3A = vector.broadcast %max3A_20 : vector<1328x1xf32> to vector<1328x128xf32>
    %div3A_21 = arith.divf %select_n3A, %div3A : vector<1328x128xf32>
    %swap3A = arith.constant 0 : index
    %swap3A_22 = arith.constant 0 : index
    %swap3A_23 = vector.load %arg3[%swap3A, %swap3A_22] : memref<1328x128xf32, #tpu.memory_space<vmem>>, vector<1328x128xf32>
    tpu.vector_store %arg3[%swap3A, %swap3A_22], %div3A_21 {strides = array<i32>} : memref<1328x128xf32, #tpu.memory_space<vmem>>, vector<1328x128xf32>,
    return
  }
  func.func @transform_0(%arg0: i32) -> (i32, i32, i32) {
    %c0_i32 = arith.constant 0 : i32
    %c0_i32_0 = arith.constant 0 : i32
    %c0_i32_1 = arith.constant 0 : i32
    return %c0_i32, %arg0, %c0_i32_0 : i32, i32, i32
  }
  func.func @transform_1(%arg0: i32) -> (i32, i32) {
    %c0_i32 = arith.constant 0 : i32
    %c0_i32_0 = arith.constant 0 : i32
    %c0_i32_1 = arith.constant 0 : i32
    return %c0_i32, %c0_i32_0 : i32, i32
  }
  func.func @transform_2(%arg0: i32) -> (i32, i32) {
    %c0_i32 = arith.constant 0 : i32
    %c0_i32_0 = arith.constant 0 : i32
    return %arg0, %c0_i32 : i32, i32
  }
}

</mosaic_0001>

<sc_bundles>
// kernel: kernel.6.cloned.1.call-start
scs
__scs_entry_jumppad:
0x0: {  	(pc) =	sbr.rel $0x88, $3  }
0x1: {  	(tag) =	ssettag $0x0;
	lr =	simm.s32 $0x1  }
0x2: {  	[smem:$0x3F9B] =	sst lr;
	_ =	strace $0xD0000000  }
0x3: {  	_ = 	snop  }
0x4: {  	_ = 	snop  }
0x5: {  	_ = 	snop  }
0x6: {  	_ = 	snop  }
0x7: {  	_ = 	snop  }
__scs_overlays_trampoline_lowered:
0x8: {  	[smem:$0x3FAA] =	sst s0  }
0x9: {  	[smem:$0x3FAB] =	sst s1  }
0xa: {  	[smem:$0x3FAC] =	sst s2  }
0xb: {  	[smem:$0x3FAD] =	sst s3  }
0xc: {  	[smem:$0x3FAE] =	sst s4  }
0xd: {  	[smem:$0x3FAF] =	sst s5  }
0xe: {  	[smem:$0x3FB0] =	sst s6  }
0xf: {  	[smem:$0x3FB1] =	sst s7  }
0x10: {  	[smem:$0x3FB2] =	sst s8  }
0x11: {  	[smem:$0x3FB3] =	sst s9;
	s0 =	simm.s32 @!p0 $0x0  }
0x12: {  	s1 =	sld [smem:$0x3F99];
	s0 =	simm.s32 @p0 $0x1  }
0x13: {  	[smem:$0x3FB4] =	sst s0;
	s0 =	simm.s32 @!p1 $0x0  }
0x14: {  	s2 =	sld [smem:$0x3F98];
	s0 =	simm.s32 @p1 $0x1  }
0x15: {  	[smem:$0x3FB5] =	sst s0;
	s0 =	simm.s32 @!p2 $0x0  }
0x16: {  	s3 =	sld [smem:$0x3FDB];
	s0 =	simm.s32 @p2 $0x1  }
0x17: {  	s4 =	simm.s32 $0x1BF5;
	[smem:$0x3FB7] =	sst s0  }
0x18: {  	s0 =	sld [smem:$0x3F9A];
	_ =	swait.ge [sflag:s4], $0x0  }
0x19: {  	s7 =	sld [smem:$0x3F9B]  }
0x1a: {  	s8 =	sadd.s32 $0xFFFFE003, lr  }
0x1b: {  	s9 =	sadd.s32 $0xFFFFFEF7, lr;
	s5 =	simm.s32 $0xFFFFFFFF;
	p2 =	slt.u32 s8, $0xFFFFF086  }
0x1c: {  	p1 =	slt.u32 s9, $0xF7A;
	s5 =	simm.s32 @!p2 $0x0  }
0x1d: {  	s5 =	simm.s32 @p1 $0x1;
	p0 =	seq.s32 s7, s2  }
0x1e: {  	s7 =	smul.u32 @!p0 $0xF7A, s2;
	p2 =	seq.s32 @!p0 s5, $0x0  }
0x1f: {  	s9 =	smul.u32 $0xF7A, s1;
	s8 =	simm.s32 @!p0 $0x1BF5;
	p2 =	por !p2, p0  }
0x20: {  	[sflag:s8] =	ssyncset.s32 @!p0 $0xFFFFF086;
	s6 =	sadd.s32 @!p0 s3, s7;
	s7 =	simm.s32 @!p0 $0x108  }
0x21: {  	s3 =	sadd.s32 s3, s9;
	s6 =	sadd.s32 @!p0 $0x88, s6;
	s7 =	simm.s32 @p2 $0x1082  }
0x22: {  	[simem:s7], [sflag:s8] =	dma.local @!p0 [hbm:s6], $0xF7A  }
0x23: {  	s9 =	sor.u32 $0xD0000000, s2;
	s6 =	simm.s32 $0x108;
	_ =	swait.ge @!p0 [sflag:s8], $0x0  }
0x24: {  	s3 =	sadd.s32 $0x88, s3;
	s6 =	simm.s32 @!p1 $0x1082;
	[sflag:s4] =	ssyncset.s32 $0xFFFFF086  }
0x25: {  	[simem:s6], [sflag:s4] =	dma.local [hbm:s3], $0xF7A  }
0x26: {  	[smem:$0x3F9B] =	sst s1;
	(tag) =	ssettag s2;
	_ =	strace s9  }
0x27: {  	s1 =	sld [smem:$0x3FAB]  }
0x28: {  	s2 =	sld [smem:$0x3FAC]  }
0x29: {  	s4 =	sld [smem:$0x3FAE]  }
0x2a: {  	p0 =	seq.s32 s5, $0x0;
	s5 =	sld [smem:$0x3FAF]  }
0x2b: {  	s6 =	sld [smem:$0x3FB0]  }
0x2c: {  	s7 =	sld [smem:$0x3FB1]  }
0x2d: {  	s3 =	simm.s32 $0x108;
	s8 =	sld [smem:$0x3FB2]  }
0x2e: {  	s3 =	simm.s32 @!p0 $0x1082;
	s9 =	sld [smem:$0x3FB3]  }
0x2f: {  	lr =	sadd.s32 s0, s3;
	s0 =	sld [smem:$0x3FAA]  }
0x30: {  	s3 =	sld [smem:$0x3FAD]  }
0x31: {  	[smem:$0x3FB6] =	sst s10  }
0x32: {  	s10 =	sld [smem:$0x3FB4];
	_ =	sdelay $0x3  }
0x33: {  	p0 =	seq.s32 s10, $0x1;
	s10 =	sld [smem:$0x3FB6];
	_ =	sdelay $0x3  }
0x34: {  	[smem:$0x3FB6] =	sst s10  }
0x35: {  	s10 =	sld [smem:$0x3FB5];
	_ =	sdelay $0x3  }
0x36: {  	p1 =	seq.s32 s10, $0x1;
	s10 =	sld [smem:$0x3FB6];
	_ =	sdelay $0x3  }
0x37: {  	[smem:$0x3FB6] =	sst s10  }
0x38: {  	s10 =	sld [smem:$0x3FB7]  }
0x39: {  	_ = 	snop;
	(pc) =	sbr.ind lr, $3  }
0x3a: {  	_ = 	snop  }
0x3b: {  	_ = 	snop  }
0x3c: {  	p2 =	seq.s32 s10, $0x1;
	s10 =	sld [smem:$0x3FB6]  }
0x3d: {  	_ =	shalt  }
0x3e: {  	_ =	shalt  }
0x3f: {  	_ =	shalt  }
0x40: {  	_ =	shalt  }
0x41: {  	_ =	shalt  }
0x42: {  	_ =	shalt  }
0x43: {  	_ =	shalt  }
0x44: {  	_ =	shalt  }
0x45: {  	_ =	shalt  }
0x46: {  	_ =	shalt  }
0x47: {  	_ =	shalt  }
0x48: {  	_ =	shalt  }
0x49: {  	_ =	shalt  }
0x4a: {  	_ =	shalt  }
0x4b: {  	_ =	shalt  }
0x4c: {  	_ =	shalt  }
0x4d: {  	_ =	shalt  }
0x4e: {  	_ =	shalt  }
0x4f: {  	_ =	shalt  }
0x50: {  	_ =	shalt  }
0x51: {  	_ =	shalt  }
0x52: {  	_ =	shalt  }
0x53: {  	_ =	shalt  }
0x54: {  	_ =	shalt  }
0x55: {  	_ =	shalt  }
0x56: {  	_ =	shalt  }
0x57: {  	_ =	shalt  }
0x58: {  	_ =	shalt  }
0x59: {  	_ =	shalt  }
0x5a: {  	_ =	shalt  }
0x5b: {  	_ =	shalt  }
0x5c: {  	_ =	shalt  }
0x5d: {  	_ =	shalt  }
0x5e: {  	_ =	shalt  }
0x5f: {  	_ =	shalt  }
0x60: {  	_ =	shalt  }
0x61: {  	_ =	shalt  }
0x62: {  	_ =	shalt  }
0x63: {  	_ =	shalt  }
0x64: {  	_ =	shalt  }
0x65: {  	_ =	shalt  }
0x66: {  	_ =	shalt  }
0x67: {  	_ =	shalt  }
0x68: {  	_ =	shalt  }
0x69: {  	_ =	shalt  }
0x6a: {  	_ =	shalt  }
0x6b: {  	_ =	shalt  }
0x6c: {  	_ =	shalt  }
0x6d: {  	_ =	shalt  }
0x6e: {  	_ =	shalt  }
0x6f: {  	_ =	shalt  }
0x70: {  	_ =	shalt  }
0x71: {  	_ =	shalt  }
0x72: {  	_ =	shalt  }
0x73: {  	_ =	shalt  }
0x74: {  	_ =	shalt  }
0x75: {  	_ =	shalt  }
0x76: {  	_ =	shalt  }
0x77: {  	_ =	shalt  }
0x78: {  	_ =	shalt  }
0x79: {  	_ =	shalt  }
0x7a: {  	_ =	shalt  }
0x7b: {  	_ =	shalt  }
0x7c: {  	_ =	shalt  }
0x7d: {  	_ =	shalt  }
0x7e: {  	_ =	shalt  }
0x7f: {  	_ =	shalt  }
0x80: {  	_ =	shalt  }
0x81: {  	_ =	shalt  }
0x82: {  	_ =	shalt  }
0x83: {  	_ =	shalt  }
0x84: {  	_ =	shalt  }
0x85: {  	_ =	shalt  }
0x86: {  	_ =	shalt  }
0x87: {  	_ =	shalt  }
.Lfunc_end0:
.L_simem_size_0:
called_computation_lowered:
.L_overlay_start_0:
0x88: {  	s2 =	sld [smem:$0x3FD9]  }
0x89: {  	s3 =	sld [smem:$0x3FFE];
	_ =	sdelay $0x1  }
0x8a: {  	s1 =	srdreg.scid  }
0x8b: {  	s0 =	sand.u32 $0x1, s1  }
0x8c: {  	s14 =	sshll.u32 s0, $0xA;
	s2 =	sadd.s32 s3, s2  }
0x8d: {  	s2 =	sadd.s32 s2, s14  }
0x8e: {  	[smem:$0x3FC2] =	sst s2  }
0x8f: {  	_ = 	snop  }
0x90: {  	s2 =	sld [smem:$0x3FD0];
	_ =	sdelay $0x2  }
0x91: {  	s4 =	simm.s32 $0xA;
	s5 =	simm.s32 $0x10;
	s15 =	sld [smem:$0x3FC6]  }
0x92: {  	[smem:s5], [sflag:s4] =	dma.local [hbm:s2], $0x1  }
0x93: {  	_ =	swait.eq [sflag:s4], $0x1  }
0x94: {  	[sflag:s4] =	ssyncset.done $0x0  }
0x95: {  	[sflag:s4] =	ssyncadd.s32 $0xFFFFFFFF  }
0x96: {  	s16 =	sld [smem:$0x10];
	(tm) =	ssettm $0x1  }
0x97: {  	s17 =	sld [smem:$0x3FFB];
	_ =	sdelay $0x3  }
0x98: {  	_ =	strace s17  }
0x99: {  	s4 =	sld [smem:$0x3FFC];
	_ =	sdelay $0x3  }
0x9a: {  	_ =	strace s4  }
0x9b: {  	s4 =	sld [smem:$0x3FFD];
	_ =	sdelay $0x3  }
0x9c: {  	_ =	strace s4  }
0x9d: {  	_ =	strace $0x8FFFFFFF  }
0x9e: {  	s18 =	sld [smem:$0x3FDB];
	_ =	sdelay $0x1  }
0x9f: {  	s19 =	simm.s32 $_scs_section_size  }
0xa0: {  	s6 =	simm.s32 $_size__tile_overlayer_lowered;
	s7 =	simm.s32 $_tile_overlayer_lowered  }
0xa1: {  	s22 =	simm.s32 $0x1BFF;
	s21 =	sshll.u32 s7, $0x1;
	s4 =	sadd.s32 s19, s18  }
0xa2: {  	s8 =	simm.s32 $0x0;
	s20 =	sshll.u32 s6, $0x1;
	s6 =	sadd.s32 s21, s4  }
0xa3: {  	[timem:s8], [sflag:s22] =	dma.local [hbm:s6], s20  }
0xa4: {  	_ =	swait.ge [sflag:s22], s20  }
0xa5: {  	s5 =	ssub.s32 $0x0, s20;
	[sflag:s22] =	ssyncset.done $0x0  }
0xa6: {  	[sflag:s22] =	ssyncadd.s32 s5;
	_ =	sdelay $0x1  }
0xa7: {  	s23 =	simm.s32 $0x1B8B  }
0xa8: {  	_ =	swait.ge [sflag:s23], $0x1  }
0xa9: {  	[sflag:s23] =	ssyncset.done $0x0  }
0xaa: {  	s25 =	simm.s32 $0x1B8E;
	s24 =	sld [smem:$0x3FFE];
	[sflag:s23] =	ssyncadd.s32 $0xFFFFFFFF  }
0xab: {  	s26 =	simm.s32 $execute0_lowered;
	[smem:$0x3FD2] =	sst s25  }
0xac: {  	s6 =	sshll.u32 s26, $0x1;
	_ =	strace $0x80000046;
	[dreg:$0x1] =	wrdreg $0xFFFFFFFF  }
0xad: {  	s28 =	simm.s32 $_size_execute0_lowered;
	s4 =	sadd.s32 s4, s6;
	[dreg:$0x0] =	wrdreg $0x0  }
0xae: {  	s6 =	sshll.u32 s28, $0x1;
	[dreg:$0x2] =	wrdreg s4  }
0xaf: {  	[dreg:$0x3] =	wrdreg s6  }
0xb0: {  	[dreg:$0x4] =	wrdreg $0xC0  }
0xb1: {  	_ =	task [dreg:s8], $0x5FFFF  }
0xb2: {  	[dreg:$0x1] =	wrdreg $0xFFFFFFFF  }
0xb3: {  	[dreg:$0x0] =	wrdreg $0x60  }
0xb4: {  	[dreg:$0x2] =	wrdreg s24  }
0xb5: {  	[dreg:$0x3] =	wrdreg s16  }
0xb6: {  	[dreg:$0x4] =	wrdreg s15  }
0xb7: {  	[dreg:$0x5] =	wrdreg $0x29800  }
0xb8: {  	[dreg:$0x6] =	wrdreg $0x9  }
0xb9: {  	_ =	task.clear_ibuf [dreg:s8], $0x7FFFF;
	_ =	strace $0x90000046  }
0xba: {  	s29 =	simm.s32 $0x9;
	_ =	strace $0x80000048  }
0xbb: {  	_ =	swait.ge [sflag:s29], $0x1  }
0xbc: {  	[sflag:s29] =	ssyncadd.s32 $0xFFFFFFFF  }
0xbd: {  	_ =	strace $0x90000048  }
0xbe: {  	_ =	sfence  }
0xbf: {  	s30 =	sld [smem:$0x0];
	_ =	sdelay $0x2  }
0xc0: {  	s31 =	sshll.u32 s1, $0xD;
	s1 =	sshrl.u32 s1, $0x2  }
0xc1: {  	s3 =	sand.u32 $0x4000, s31;
	s1 =	sadd.s32 s1, s30  }
0xc2: {  	s0 =	sor.u32 s3, s0;
	s1 =	sshll.u32 s1, $0x11  }
0xc3: {  	s0 =	sor.u32 s1, s0  }
0xc4: {  	s0 =	sadd.s32 $0x8F2B, s0  }
0xc5: {  	[sflag:s0] =	ssyncadd.remote.s32 $0x1  }
0xc6: {  	_ =	sfence.sel $0xFFFF  }
0xc7: {  	[dreg:$0x0] =	wrdreg $0xFFFFFFFF;
	(pc) =	sbr.abs _section_cstart, $3  }
0xc8: {  	[dreg:$0x1] =	wrdreg $0xFFFFFFFF  }
0xc9: {  	_ =	task.clear_ibuf [dreg:s8], $0x2FFFF;
	_ =	strace $0x9FFFFFFF  }
0xca: {  	(tm) =	ssettm $0x7FFFFFFF  }
0xcb: {  	_ =	shalt  }
tec
execute0_lowered:
.L_overlay_start_1:
0x0: {  	(tag) =	ssettag $0x1  }
0x1: {  	s8 =	rddreg [dreg:$0x0]  }
0x2: {  	s2 =	rddreg [dreg:$0x1]  }
0x3: {  	s3 =	rddreg [dreg:$0x2]  }
0x4: {  	s4 =	rddreg [dreg:$0x3]  }
0x5: {  	s0 =	rddreg [dreg:$0x4]  }
0x6: {  	s1 =	stileid.u32;
	s6 =	srdreg.scid;
	s5 =	simm.s32 $0x0  }
0x7: {  	s16 =	simm.s32 $0x100;
	s17 =	simm.s32 $0x50;
	s18 =	simm.s32 $0x180  }
0x8: {  	s19 =	simm.s32 $0x1;
	s9 =	smul.u32 $0x14C00, s1;
	s10 =	sand.u32 $0x1, s6  }
0x9: {  	[smem:$0x7FF] =	sst s5;
	s6 =	sadd.s32 $0xAA00, s8;
	s7 =	sadd.s32 $0xC00, s8  }
0xa: {  	s13 =	smul.u32 $0x53000, s1;
	s30 =	sshll.u32 s1, $0x1;
	s31 =	sshll.u32 s1, $0x6  }
0xb: {  	s11 =	smul.u32 $0x14C000, s10;
	_ =	strace $0x80000047;
	s26 =	ssub.s32 $0x2, s10  }
0xc: {  	s10 =	sor.u32 s10, s30;
	s12 =	sshrl.u32 s9, $0x3;
	s28 =	sshrl.u32 s26, $0x1  }
0xd: {  	s29 =	sshrl.u32 s13, $0x2;
	s10 =	smul.u32 $0x2710, s10;
	s9 =	sadd.s32 s9, s11  }
0xe: {  	s12 =	sadd.s32 s12, s8;
	s13 =	sadd.s32 s29, s4;
	s9 =	sshrl.u32 s9, $0x3  }
0xf: {  	s15 =	ssub.s32 s26, s28;
	s13 =	sshrl.u32 s13, $0x3;
	s14 =	sadd.s32 s9, s8  }
0x10: {  	s8 =	sadd.s32 $0x33C00, s12;
	s9 =	sor.u32 $0x1C02, s31;
	s12 =	smax.u32 s15, $0x1  }
0x11: {  	s15 =	simm.s32 $0x80;
	s11 =	sadd.s32 $0x5D400, s14;
	s14 =	simm.s32 $0x2  }
.LBB2_1:
0x12: {  	[spmem:s13], [sflag:s9] =	dma.local [hbm:s8], $0x2980  }
0x13: {  	_ =	swait.ge [sflag:s14], $0x2980  }
0x14: {  	[sflag:s14] =	ssyncset.done $0x0  }
0x15: {  	[sflag:s14] =	ssyncadd.s32 $0xFFFFD680  }
0x16: {  	s20 =	simm.s32 $0x0;
	[bflag:$0x0] =	sbarrier.arrive $0xFFFF  }
.LBB2_2:
0x17: {  	s21 =	smul.u32 $0x50, s20;
	_ =	sdelay $0x1  }
0x18: {  	s21 =	sadd.s32 s10, s21  }
0x19: {  	s21 =	sshrl.u32 s21, $0x3  }
0x1a: {  	s23 =	simm.s32 $0x0;
	s22 =	sadd.s32 s7, s21  }
0x1b: {  	[tilespmem:s23], [sflag:$0x2] =	stream.linear.gather [hbm4b:s22+s23], $0x50, $0x38;
	[tilespmem:$0x17580] =	vst v63  }
0x1c: {  	_ =	swait.ge [sflag:s14], $0x50  }
0x1d: {  	[sflag:s14] =	ssyncset.done $0x0  }
0x1e: {  	s30 =	sadd.s32 s2, s21;
	[sflag:s14] =	ssyncadd.s32 $0xFFFFFFB0  }
0x1f: {  	[tilespmem:s15], [sflag:$0x2] =	stream.linear.gather [hbm4b:s30+s23], $0x50, $0x38;
	[tilespmem:$0x17580] =	vst v63  }
0x20: {  	_ =	swait.ge [sflag:s14], $0x50  }
0x21: {  	[sflag:s14] =	ssyncset.done $0x0  }
0x22: {  	s21 =	sadd.s32 s3, s21;
	[sflag:s14] =	ssyncadd.s32 $0xFFFFFFB0  }
0x23: {  	[tilespmem:s16], [sflag:$0x2] =	stream.linear.gather [hbm4b:s21+s23], $0x50, $0x38;
	[tilespmem:$0x17580] =	vst v63  }
0x24: {  	_ =	swait.ge [sflag:s14], $0x50  }
0x25: {  	[sflag:s14] =	ssyncset.done $0x0  }
0x26: {  	[sflag:s14] =	ssyncadd.s32 $0xFFFFFFB0  }
0x27: {  	[tilespmem:s18], [sflag:$0x1] =	stream.indirect.gather [hbm4b:s6+s17], $0x80, s23, s17, $0xb8;
	[tilespmem:$0x17580] =	vst v63  }
0x28: {  	_ =	swait.ge [sflag:s19], $0x2800  }
0x29: {  	[sflag:s19] =	ssyncset.done $0x0  }
0x2a: {  	s21 =	simm.s32 $0x1C0;
	[sflag:s19] =	ssyncadd.s32 $0xFFFFD800  }
0x2b: {  	v4 =	vld [tilespmem:s21+$0x30]  }
0x2c: {  	v7 =	vld [tilespmem:s21+$0x10]  }
0x2d: {  	s31 =	simm.s32 $0x0;
	v5 =	vld [tilespmem:s21+$0xFFFFFFC0]  }
0x2e: {  	v1 =	vld.msk [tilespmem:s31+$0x100 ss:$0x0], $0xffff  }
0x2f: {  	v9 =	vld [tilespmem:s21+$0xFFFFFFE0]  }
0x30: {  	v0 =	vld [tilespmem:s21+$0xFFFFFFF0]  }
0x31: {  	v2 =	vld [tilespmem:s21+$0x20]  }
0x32: {  	v3 =	vld [tilespmem:s21+$0xFFFFFFD0]  }
0x33: {  	v8 =	vmul.f32 v4, v1;
	v4 =	vld [tilespmem:s21+$0x0]  }
0x34: {  	v6 =	vmul.f32 v1, v5  }
0x35: {  	s22 =	simm.s32 $0x4;
	s23 =	simm.s32 $0x1C0;
	v5 =	vmul.f32 v9, v1;
	v7 =	vmul.f32 v7, v1  }
.LBB2_3:
0x36: {  	p0 =	sne.s32 s22, $0x13C  }
0x37: {  	v3 =	vmul.f32 v3, v1;
	v2 =	vmul.f32 v2, v1;
	[tilespmem:s21+$0x30] =	vst v8;
	s23 =	sadd.s32 $0x80, s23;
	s24 =	smov.u32 s22;
	s22 =	sadd.s32 $0x4, s22  }
0x38: {  	[tilespmem:s21+$0xFFFFFFC0] =	vst v6;
	v6 =	vmul.f32 v0, v1;
	v1 =	vmul.f32 v4, v1  }
0x39: {  	[tilespmem:s21+$0x10] =	vst v7  }
0x3a: {  	[tilespmem:s21+$0xFFFFFFE0] =	vst v5  }
0x3b: {  	v0 =	vld [tilespmem:s23+$0xFFFFFFF0];
	[tilespmem:s21+$0xFFFFFFF0] =	vst v6  }
0x3c: {  	v5 =	vld [tilespmem:s23+$0x30];
	[tilespmem:s21+$0x0] =	vst v1  }
0x3d: {  	v7 =	vld [tilespmem:s23+$0x10];
	[tilespmem:s21+$0x20] =	vst v2  }
0x3e: {  	s24 =	sshra.s32 s24, $0x2;
	v6 =	vld [tilespmem:s23+$0xFFFFFFC0];
	[tilespmem:s21+$0xFFFFFFD0] =	vst v3;
	s21 =	smov.u32 s23  }
0x3f: {  	v1 =	vld.msk [tilespmem:s24+$0x100 ss:$0x0], $0xffff  }
0x40: {  	v9 =	vld [tilespmem:s23+$0xFFFFFFE0]  }
0x41: {  	v2 =	vld [tilespmem:s23+$0x20]  }
.Ltmp0:
0x42: {  	v3 =	vld [tilespmem:s23+$0xFFFFFFD0];
	(pc) =	sbr.rel @p0 .LBB2_3-.Ltmp0, $3  }
0x43: {  	v4 =	vld [tilespmem:s23+$0x0];
	_ =	sdelay $0x1  }
0x44: {  	v6 =	vmul.f32 v1, v6;
	v8 =	vmul.f32 v5, v1  }
0x45: {  	v7 =	vmul.f32 v7, v1;
	v5 =	vmul.f32 v9, v1  }
0x46: {  	[tilespmem:s21+$0x30] =	vst v8  }
0x47: {  	[tilespmem:s21+$0xFFFFFFC0] =	vst v6  }
0x48: {  	v0 =	vmul.f32 v0, v1;
	[tilespmem:s21+$0x10] =	vst v7  }
0x49: {  	v2 =	vmul.f32 v2, v1;
	[tilespmem:s21+$0xFFFFFFE0] =	vst v5  }
0x4a: {  	v63 =	vmul.f32 v3, v1;
	[tilespmem:s21+$0xFFFFFFF0] =	vst v0  }
0x4b: {  	s20 =	sadd.s32 $0x1, s20;
	v4 =	vmul.f32 v4, v1;
	[tilespmem:s21+$0x20] =	vst v2  }
0x4c: {  	p0 =	sne.s32 s20, $0x7D;
	[tilespmem:s21+$0xFFFFFFD0] =	vst v63  }
.Ltmp1:
0x4d: {  	[tilespmem:s21+$0x0] =	vst v4;
	(pc) =	sbr.rel @p0 .LBB2_2-.Ltmp1, $4  }
0x4e: {  	[spmem:s4] =	stream.indirect.scatter.add.f32 [tilespmem:s18], [sflag:$0x2], $0x80, s15, s17, $0xb8;
	[tilespmem:$0x17580] =	vst v63  }
0x4f: {  	_ =	swait.ge [sflag:s14], $0x2800  }
0x50: {  	[sflag:s14] =	ssyncset.done $0x0  }
0x51: {  	[sflag:s14] =	ssyncadd.s32 $0xFFFFD800  }
0x52: {  	s5 =	sadd.s32 $0x1, s5  }
0x53: {  	p0 =	sne.s32 s5, s12  }
.Ltmp2:
0x54: {  	[bflag:$0x0] =	sbarrier.arrive $0xFFFF;
	(pc) =	sbr.rel @p0 .LBB2_1-.Ltmp2, $4  }
0x55: {  	[hbm:s11], [sflag:s9] =	dma.local [spmem:s13], $0x2980  }
0x56: {  	_ =	swait.ge [sflag:s14], $0x2980  }
0x57: {  	[sflag:s14] =	ssyncset.done $0x0  }
0x58: {  	[sflag:s14] =	ssyncadd.s32 $0xFFFFD680  }
0x59: {  	_ =	sfence.sel $0x180000  }
0x5a: {  	[bflag:$0x0] =	sbarrier.arrive $0xFFFF  }
0x5b: {  	p0 =	sne.s32 s1, $0x0;
	_ =	strace $0x90000047  }
0x5c: {  	s0 =	sadd.s32 @!p0 $0x100000, s0;
	[bflag:$0x2] =	sbarrier.arrive $0xFFFF  }
0x5d: {  	[sflag:s0] =	ssyncadd.tile.s32 @!p0 $0x1;
	_ =	shalt  }
.Lfunc_end2:
_tile_overlayer_lowered:
.L_overlay_start_2:
0x5e: {  	(tag) =	ssettag $0x2  }
0x5f: {  	s0 =	rddreg [dreg:$0x0];
	s2 =	stileid.u32  }
0x60: {  	s1 =	rddreg [dreg:$0x1];
	p0 =	sne.s32 s2, $0x0  }
0x61: {  	s3 =	rddreg [dreg:$0x2];
	[bflag:$0x3] =	sbarrier.arrive $0xFFFF;
	s2 =	simm.s32 @!p0 $0x1C02  }
0x62: {  	[timem:s3], [sflag:s2] =	dma.local @!p0 [hbm:s0], s1  }
0x63: {  	s0 =	simm.s32 @!p0 $0x2  }
0x64: {  	_ =	swait.ge @!p0 [sflag:s0], s1  }
0x65: {  	s1 =	ssub.s32 @!p0 $0x0, s1;
	[sflag:s0] =	ssyncset.done @!p0 $0x0  }
0x66: {  	[sflag:s0] =	ssyncadd.s32 @!p0 s1  }
0x67: {  	[bflag:$0x3] =	sbarrier.arrive $0xFFFF  }
0x68: {  	_ =	shalt  }

// kernel: kernel.9.cloned.1.call-start
scs
__scs_entry_jumppad:
0x0: {  	(pc) =	sbr.rel $0x88, $3  }
0x1: {  	(tag) =	ssettag $0x0;
	lr =	simm.s32 $0x1  }
0x2: {  	[smem:$0x3F9B] =	sst lr;
	_ =	strace $0xD0000000  }
0x3: {  	_ = 	snop  }
0x4: {  	_ = 	snop  }
0x5: {  	_ = 	snop  }
0x6: {  	_ = 	snop  }
0x7: {  	_ = 	snop  }
__scs_overlays_trampoline_lowered:
0x8: {  	[smem:$0x3FAA] =	sst s0  }
0x9: {  	[smem:$0x3FAB] =	sst s1  }
0xa: {  	[smem:$0x3FAC] =	sst s2  }
0xb: {  	[smem:$0x3FAD] =	sst s3  }
0xc: {  	[smem:$0x3FAE] =	sst s4  }
0xd: {  	[smem:$0x3FAF] =	sst s5  }
0xe: {  	[smem:$0x3FB0] =	sst s6  }
0xf: {  	[smem:$0x3FB1] =	sst s7  }
0x10: {  	[smem:$0x3FB2] =	sst s8  }
0x11: {  	[smem:$0x3FB3] =	sst s9;
	s0 =	simm.s32 @!p0 $0x0  }
0x12: {  	s1 =	sld [smem:$0x3F99];
	s0 =	simm.s32 @p0 $0x1  }
0x13: {  	[smem:$0x3FB4] =	sst s0;
	s0 =	simm.s32 @!p1 $0x0  }
0x14: {  	s2 =	sld [smem:$0x3F98];
	s0 =	simm.s32 @p1 $0x1  }
0x15: {  	[smem:$0x3FB5] =	sst s0;
	s0 =	simm.s32 @!p2 $0x0  }
0x16: {  	s3 =	sld [smem:$0x3FDB];
	s0 =	simm.s32 @p2 $0x1  }
0x17: {  	s4 =	simm.s32 $0x1BF5;
	[smem:$0x3FB7] =	sst s0  }
0x18: {  	s0 =	sld [smem:$0x3F9A];
	_ =	swait.ge [sflag:s4], $0x0  }
0x19: {  	s7 =	sld [smem:$0x3F9B]  }
0x1a: {  	s8 =	sadd.s32 $0xFFFFE003, lr  }
0x1b: {  	s9 =	sadd.s32 $0xFFFFFEF7, lr;
	s5 =	simm.s32 $0xFFFFFFFF;
	p2 =	slt.u32 s8, $0xFFFFF086  }
0x1c: {  	p1 =	slt.u32 s9, $0xF7A;
	s5 =	simm.s32 @!p2 $0x0  }
0x1d: {  	s5 =	simm.s32 @p1 $0x1;
	p0 =	seq.s32 s7, s2  }
0x1e: {  	s7 =	smul.u32 @!p0 $0xF7A, s2;
	p2 =	seq.s32 @!p0 s5, $0x0  }
0x1f: {  	s9 =	smul.u32 $0xF7A, s1;
	s8 =	simm.s32 @!p0 $0x1BF5;
	p2 =	por !p2, p0  }
0x20: {  	[sflag:s8] =	ssyncset.s32 @!p0 $0xFFFFF086;
	s6 =	sadd.s32 @!p0 s3, s7;
	s7 =	simm.s32 @!p0 $0x108  }
0x21: {  	s3 =	sadd.s32 s3, s9;
	s6 =	sadd.s32 @!p0 $0x88, s6;
	s7 =	simm.s32 @p2 $0x1082  }
0x22: {  	[simem:s7], [sflag:s8] =	dma.local @!p0 [hbm:s6], $0xF7A  }
0x23: {  	s9 =	sor.u32 $0xD0000000, s2;
	s6 =	simm.s32 $0x108;
	_ =	swait.ge @!p0 [sflag:s8], $0x0  }
0x24: {  	s3 =	sadd.s32 $0x88, s3;
	s6 =	simm.s32 @!p1 $0x1082;
	[sflag:s4] =	ssyncset.s32 $0xFFFFF086  }
0x25: {  	[simem:s6], [sflag:s4] =	dma.local [hbm:s3], $0xF7A  }
0x26: {  	[smem:$0x3F9B] =	sst s1;
	(tag) =	ssettag s2;
	_ =	strace s9  }
0x27: {  	s1 =	sld [smem:$0x3FAB]  }
0x28: {  	s2 =	sld [smem:$0x3FAC]  }
0x29: {  	s4 =	sld [smem:$0x3FAE]  }
0x2a: {  	p0 =	seq.s32 s5, $0x0;
	s5 =	sld [smem:$0x3FAF]  }
0x2b: {  	s6 =	sld [smem:$0x3FB0]  }
0x2c: {  	s7 =	sld [smem:$0x3FB1]  }
0x2d: {  	s3 =	simm.s32 $0x108;
	s8 =	sld [smem:$0x3FB2]  }
0x2e: {  	s3 =	simm.s32 @!p0 $0x1082;
	s9 =	sld [smem:$0x3FB3]  }
0x2f: {  	lr =	sadd.s32 s0, s3;
	s0 =	sld [smem:$0x3FAA]  }
0x30: {  	s3 =	sld [smem:$0x3FAD]  }
0x31: {  	[smem:$0x3FB6] =	sst s10  }
0x32: {  	s10 =	sld [smem:$0x3FB4];
	_ =	sdelay $0x3  }
0x33: {  	p0 =	seq.s32 s10, $0x1;
	s10 =	sld [smem:$0x3FB6];
	_ =	sdelay $0x3  }
0x34: {  	[smem:$0x3FB6] =	sst s10  }
0x35: {  	s10 =	sld [smem:$0x3FB5];
	_ =	sdelay $0x3  }
0x36: {  	p1 =	seq.s32 s10, $0x1;
	s10 =	sld [smem:$0x3FB6];
	_ =	sdelay $0x3  }
0x37: {  	[smem:$0x3FB6] =	sst s10  }
0x38: {  	s10 =	sld [smem:$0x3FB7]  }
0x39: {  	_ = 	snop;
	(pc) =	sbr.ind lr, $3  }
0x3a: {  	_ = 	snop  }
0x3b: {  	_ = 	snop  }
0x3c: {  	p2 =	seq.s32 s10, $0x1;
	s10 =	sld [smem:$0x3FB6]  }
0x3d: {  	_ =	shalt  }
0x3e: {  	_ =	shalt  }
0x3f: {  	_ =	shalt  }
0x40: {  	_ =	shalt  }
0x41: {  	_ =	shalt  }
0x42: {  	_ =	shalt  }
0x43: {  	_ =	shalt  }
0x44: {  	_ =	shalt  }
0x45: {  	_ =	shalt  }
0x46: {  	_ =	shalt  }
0x47: {  	_ =	shalt  }
0x48: {  	_ =	shalt  }
0x49: {  	_ =	shalt  }
0x4a: {  	_ =	shalt  }
0x4b: {  	_ =	shalt  }
0x4c: {  	_ =	shalt  }
0x4d: {  	_ =	shalt  }
0x4e: {  	_ =	shalt  }
0x4f: {  	_ =	shalt  }
0x50: {  	_ =	shalt  }
0x51: {  	_ =	shalt  }
0x52: {  	_ =	shalt  }
0x53: {  	_ =	shalt  }
0x54: {  	_ =	shalt  }
0x55: {  	_ =	shalt  }
0x56: {  	_ =	shalt  }
0x57: {  	_ =	shalt  }
0x58: {  	_ =	shalt  }
0x59: {  	_ =	shalt  }
0x5a: {  	_ =	shalt  }
0x5b: {  	_ =	shalt  }
0x5c: {  	_ =	shalt  }
0x5d: {  	_ =	shalt  }
0x5e: {  	_ =	shalt  }
0x5f: {  	_ =	shalt  }
0x60: {  	_ =	shalt  }
0x61: {  	_ =	shalt  }
0x62: {  	_ =	shalt  }
0x63: {  	_ =	shalt  }
0x64: {  	_ =	shalt  }
0x65: {  	_ =	shalt  }
0x66: {  	_ =	shalt  }
0x67: {  	_ =	shalt  }
0x68: {  	_ =	shalt  }
0x69: {  	_ =	shalt  }
0x6a: {  	_ =	shalt  }
0x6b: {  	_ =	shalt  }
0x6c: {  	_ =	shalt  }
0x6d: {  	_ =	shalt  }
0x6e: {  	_ =	shalt  }
0x6f: {  	_ =	shalt  }
0x70: {  	_ =	shalt  }
0x71: {  	_ =	shalt  }
0x72: {  	_ =	shalt  }
0x73: {  	_ =	shalt  }
0x74: {  	_ =	shalt  }
0x75: {  	_ =	shalt  }
0x76: {  	_ =	shalt  }
0x77: {  	_ =	shalt  }
0x78: {  	_ =	shalt  }
0x79: {  	_ =	shalt  }
0x7a: {  	_ =	shalt  }
0x7b: {  	_ =	shalt  }
0x7c: {  	_ =	shalt  }
0x7d: {  	_ =	shalt  }
0x7e: {  	_ =	shalt  }
0x7f: {  	_ =	shalt  }
0x80: {  	_ =	shalt  }
0x81: {  	_ =	shalt  }
0x82: {  	_ =	shalt  }
0x83: {  	_ =	shalt  }
0x84: {  	_ =	shalt  }
0x85: {  	_ =	shalt  }
0x86: {  	_ =	shalt  }
0x87: {  	_ =	shalt  }
.Lfunc_end0:
.L_simem_size_0:
called_computation.1_lowered:
.L_overlay_start_0:
0x88: {  	s2 =	sld [smem:$0x3FD9]  }
0x89: {  	s3 =	sld [smem:$0x3FFE];
	_ =	sdelay $0x1  }
0x8a: {  	s1 =	srdreg.scid  }
0x8b: {  	s0 =	sand.u32 $0x1, s1  }
0x8c: {  	s14 =	sshll.u32 s0, $0xA;
	s2 =	sadd.s32 s3, s2  }
0x8d: {  	s2 =	sadd.s32 s2, s14  }
0x8e: {  	[smem:$0x3FC2] =	sst s2  }
0x8f: {  	_ = 	snop  }
0x90: {  	s2 =	sld [smem:$0x3FD0];
	_ =	sdelay $0x2  }
0x91: {  	s4 =	simm.s32 $0xA;
	s5 =	simm.s32 $0x10;
	s15 =	sld [smem:$0x3FC6]  }
0x92: {  	[smem:s5], [sflag:s4] =	dma.local [hbm:s2], $0x1  }
0x93: {  	_ =	swait.eq [sflag:s4], $0x1  }
0x94: {  	[sflag:s4] =	ssyncset.done $0x0  }
0x95: {  	[sflag:s4] =	ssyncadd.s32 $0xFFFFFFFF  }
0x96: {  	s16 =	sld [smem:$0x10];
	(tm) =	ssettm $0x1  }
0x97: {  	s17 =	sld [smem:$0x3FFB];
	_ =	sdelay $0x3  }
0x98: {  	_ =	strace s17  }
0x99: {  	s4 =	sld [smem:$0x3FFC];
	_ =	sdelay $0x3  }
0x9a: {  	_ =	strace s4  }
0x9b: {  	s4 =	sld [smem:$0x3FFD];
	_ =	sdelay $0x3  }
0x9c: {  	_ =	strace s4  }
0x9d: {  	_ =	strace $0x8FFFFFFF  }
0x9e: {  	s18 =	sld [smem:$0x3FDB];
	_ =	sdelay $0x1  }
0x9f: {  	s19 =	simm.s32 $_scs_section_size  }
0xa0: {  	s6 =	simm.s32 $_size__tile_overlayer_lowered;
	s7 =	simm.s32 $_tile_overlayer_lowered  }
0xa1: {  	s22 =	simm.s32 $0x1BFF;
	s21 =	sshll.u32 s7, $0x1;
	s4 =	sadd.s32 s19, s18  }
0xa2: {  	s8 =	simm.s32 $0x0;
	s20 =	sshll.u32 s6, $0x1;
	s6 =	sadd.s32 s21, s4  }
0xa3: {  	[timem:s8], [sflag:s22] =	dma.local [hbm:s6], s20  }
0xa4: {  	_ =	swait.ge [sflag:s22], s20  }
0xa5: {  	s5 =	ssub.s32 $0x0, s20;
	[sflag:s22] =	ssyncset.done $0x0  }
0xa6: {  	[sflag:s22] =	ssyncadd.s32 s5;
	_ =	sdelay $0x1  }
0xa7: {  	s23 =	simm.s32 $0x1B8B  }
0xa8: {  	_ =	swait.ge [sflag:s23], $0x1  }
0xa9: {  	[sflag:s23] =	ssyncset.done $0x0  }
0xaa: {  	s25 =	simm.s32 $0x1B8E;
	s24 =	sld [smem:$0x3FFE];
	[sflag:s23] =	ssyncadd.s32 $0xFFFFFFFF  }
0xab: {  	s26 =	simm.s32 $execute0_lowered;
	[smem:$0x3FD2] =	sst s25  }
0xac: {  	s6 =	sshll.u32 s26, $0x1;
	_ =	strace $0x80000049;
	[dreg:$0x1] =	wrdreg $0xFFFFFFFF  }
0xad: {  	s28 =	simm.s32 $_size_execute0_lowered;
	s4 =	sadd.s32 s4, s6;
	[dreg:$0x0] =	wrdreg $0x0  }
0xae: {  	s6 =	sshll.u32 s28, $0x1;
	[dreg:$0x2] =	wrdreg s4  }
0xaf: {  	[dreg:$0x3] =	wrdreg s6  }
0xb0: {  	[dreg:$0x4] =	wrdreg $0xC0  }
0xb1: {  	_ =	task [dreg:s8], $0x5FFFF  }
0xb2: {  	[dreg:$0x1] =	wrdreg $0xFFFFFFFF  }
0xb3: {  	[dreg:$0x0] =	wrdreg $0x60  }
0xb4: {  	[dreg:$0x2] =	wrdreg s24  }
0xb5: {  	[dreg:$0x3] =	wrdreg s16  }
0xb6: {  	[dreg:$0x4] =	wrdreg s15  }
0xb7: {  	[dreg:$0x5] =	wrdreg $0x29800  }
0xb8: {  	[dreg:$0x6] =	wrdreg $0x9  }
0xb9: {  	_ =	task.clear_ibuf [dreg:s8], $0x7FFFF;
	_ =	strace $0x90000049  }
0xba: {  	s29 =	simm.s32 $0x9;
	_ =	strace $0x8000004B  }
0xbb: {  	_ =	swait.ge [sflag:s29], $0x1  }
0xbc: {  	[sflag:s29] =	ssyncadd.s32 $0xFFFFFFFF  }
0xbd: {  	_ =	strace $0x9000004B  }
0xbe: {  	_ =	sfence  }
0xbf: {  	s30 =	sld [smem:$0x0];
	_ =	sdelay $0x2  }
0xc0: {  	s31 =	sshll.u32 s1, $0xD;
	s1 =	sshrl.u32 s1, $0x2  }
0xc1: {  	s3 =	sand.u32 $0x4000, s31;
	s1 =	sadd.s32 s1, s30  }
0xc2: {  	s0 =	sor.u32 s3, s0;
	s1 =	sshll.u32 s1, $0x11  }
0xc3: {  	s0 =	sor.u32 s1, s0  }
0xc4: {  	s0 =	sadd.s32 $0x8F2B, s0  }
0xc5: {  	[sflag:s0] =	ssyncadd.remote.s32 $0x1  }
0xc6: {  	_ =	sfence.sel $0xFFFF  }
0xc7: {  	[dreg:$0x0] =	wrdreg $0xFFFFFFFF;
	(pc) =	sbr.abs _section_cstart, $3  }
0xc8: {  	[dreg:$0x1] =	wrdreg $0xFFFFFFFF  }
0xc9: {  	_ =	task.clear_ibuf [dreg:s8], $0x2FFFF;
	_ =	strace $0x9FFFFFFF  }
0xca: {  	(tm) =	ssettm $0x7FFFFFFF  }
0xcb: {  	_ =	shalt  }
tec
execute0_lowered:
.L_overlay_start_1:
0x0: {  	(tag) =	ssettag $0x1  }
0x1: {  	s8 =	rddreg [dreg:$0x0]  }
0x2: {  	s2 =	rddreg [dreg:$0x1]  }
0x3: {  	s3 =	rddreg [dreg:$0x2]  }
0x4: {  	s4 =	rddreg [dreg:$0x3]  }
0x5: {  	s0 =	rddreg [dreg:$0x4]  }
0x6: {  	s1 =	stileid.u32;
	s6 =	srdreg.scid;
	s5 =	simm.s32 $0x0  }
0x7: {  	s16 =	simm.s32 $0x100;
	s17 =	simm.s32 $0x50;
	s18 =	simm.s32 $0x180  }
0x8: {  	s19 =	simm.s32 $0x1;
	s9 =	smul.u32 $0x14C00, s1;
	s10 =	sand.u32 $0x1, s6  }
0x9: {  	[smem:$0x7FF] =	sst s5;
	s6 =	sadd.s32 $0x5D400, s8;
	s7 =	sadd.s32 $0xC00, s8  }
0xa: {  	s13 =	smul.u32 $0x53000, s1;
	s30 =	sshll.u32 s1, $0x1;
	s31 =	sshll.u32 s1, $0x6  }
0xb: {  	s11 =	smul.u32 $0x14C000, s10;
	_ =	strace $0x8000004A;
	s26 =	ssub.s32 $0x2, s10  }
0xc: {  	s10 =	sor.u32 s10, s30;
	s12 =	sshrl.u32 s9, $0x3;
	s28 =	sshrl.u32 s26, $0x1  }
0xd: {  	s29 =	sshrl.u32 s13, $0x2;
	s10 =	smul.u32 $0x2710, s10;
	s9 =	sadd.s32 s9, s11  }
0xe: {  	s12 =	sadd.s32 s12, s8;
	s13 =	sadd.s32 s29, s4;
	s9 =	sshrl.u32 s9, $0x3  }
0xf: {  	s15 =	ssub.s32 s26, s28;
	s13 =	sshrl.u32 s13, $0x3;
	s14 =	sadd.s32 s9, s8  }
0x10: {  	s8 =	sadd.s32 $0x33C00, s12;
	s9 =	sor.u32 $0x1C02, s31;
	s12 =	smax.u32 s15, $0x1  }
0x11: {  	s15 =	simm.s32 $0x80;
	s11 =	sadd.s32 $0x86C00, s14;
	s14 =	simm.s32 $0x2  }
.LBB2_1:
0x12: {  	[spmem:s13], [sflag:s9] =	dma.local [hbm:s8], $0x2980  }
0x13: {  	_ =	swait.ge [sflag:s14], $0x2980  }
0x14: {  	[sflag:s14] =	ssyncset.done $0x0  }
0x15: {  	[sflag:s14] =	ssyncadd.s32 $0xFFFFD680  }
0x16: {  	s20 =	simm.s32 $0x0;
	[bflag:$0x0] =	sbarrier.arrive $0xFFFF  }
.LBB2_2:
0x17: {  	s21 =	smul.u32 $0x50, s20;
	_ =	sdelay $0x1  }
0x18: {  	s21 =	sadd.s32 s10, s21  }
0x19: {  	s21 =	sshrl.u32 s21, $0x3  }
0x1a: {  	s23 =	simm.s32 $0x0;
	s22 =	sadd.s32 s7, s21  }
0x1b: {  	[tilespmem:s23], [sflag:$0x2] =	stream.linear.gather [hbm4b:s22+s23], $0x50, $0x38;
	[tilespmem:$0x17580] =	vst v63  }
0x1c: {  	_ =	swait.ge [sflag:s14], $0x50  }
0x1d: {  	[sflag:s14] =	ssyncset.done $0x0  }
0x1e: {  	s30 =	sadd.s32 s2, s21;
	[sflag:s14] =	ssyncadd.s32 $0xFFFFFFB0  }
0x1f: {  	[tilespmem:s15], [sflag:$0x2] =	stream.linear.gather [hbm4b:s30+s23], $0x50, $0x38;
	[tilespmem:$0x17580] =	vst v63  }
0x20: {  	_ =	swait.ge [sflag:s14], $0x50  }
0x21: {  	[sflag:s14] =	ssyncset.done $0x0  }
0x22: {  	s21 =	sadd.s32 s3, s21;
	[sflag:s14] =	ssyncadd.s32 $0xFFFFFFB0  }
0x23: {  	[tilespmem:s16], [sflag:$0x2] =	stream.linear.gather [hbm4b:s21+s23], $0x50, $0x38;
	[tilespmem:$0x17580] =	vst v63  }
0x24: {  	_ =	swait.ge [sflag:s14], $0x50  }
0x25: {  	[sflag:s14] =	ssyncset.done $0x0  }
0x26: {  	[sflag:s14] =	ssyncadd.s32 $0xFFFFFFB0  }
0x27: {  	[tilespmem:s18], [sflag:$0x1] =	stream.indirect.gather [hbm4b:s6+s17], $0x80, s23, s17, $0xb8;
	[tilespmem:$0x17580] =	vst v63  }
0x28: {  	_ =	swait.ge [sflag:s19], $0x2800  }
0x29: {  	[sflag:s19] =	ssyncset.done $0x0  }
0x2a: {  	s21 =	simm.s32 $0x1C0;
	[sflag:s19] =	ssyncadd.s32 $0xFFFFD800  }
0x2b: {  	v4 =	vld [tilespmem:s21+$0x30]  }
0x2c: {  	v7 =	vld [tilespmem:s21+$0x10]  }
0x2d: {  	s31 =	simm.s32 $0x0;
	v5 =	vld [tilespmem:s21+$0xFFFFFFC0]  }
0x2e: {  	v1 =	vld.msk [tilespmem:s31+$0x100 ss:$0x0], $0xffff  }
0x2f: {  	v9 =	vld [tilespmem:s21+$0xFFFFFFE0]  }
0x30: {  	v0 =	vld [tilespmem:s21+$0xFFFFFFF0]  }
0x31: {  	v2 =	vld [tilespmem:s21+$0x20]  }
0x32: {  	v3 =	vld [tilespmem:s21+$0xFFFFFFD0]  }
0x33: {  	v8 =	vmul.f32 v4, v1;
	v4 =	vld [tilespmem:s21+$0x0]  }
0x34: {  	v6 =	vmul.f32 v1, v5  }
0x35: {  	s22 =	simm.s32 $0x4;
	s23 =	simm.s32 $0x1C0;
	v5 =	vmul.f32 v9, v1;
	v7 =	vmul.f32 v7, v1  }
.LBB2_3:
0x36: {  	p0 =	sne.s32 s22, $0x13C  }
0x37: {  	v3 =	vmul.f32 v3, v1;
	v2 =	vmul.f32 v2, v1;
	[tilespmem:s21+$0x30] =	vst v8;
	s23 =	sadd.s32 $0x80, s23;
	s24 =	smov.u32 s22;
	s22 =	sadd.s32 $0x4, s22  }
0x38: {  	[tilespmem:s21+$0xFFFFFFC0] =	vst v6;
	v6 =	vmul.f32 v0, v1;
	v1 =	vmul.f32 v4, v1  }
0x39: {  	[tilespmem:s21+$0x10] =	vst v7  }
0x3a: {  	[tilespmem:s21+$0xFFFFFFE0] =	vst v5  }
0x3b: {  	v0 =	vld [tilespmem:s23+$0xFFFFFFF0];
	[tilespmem:s21+$0xFFFFFFF0] =	vst v6  }
0x3c: {  	v5 =	vld [tilespmem:s23+$0x30];
	[tilespmem:s21+$0x0] =	vst v1  }
0x3d: {  	v7 =	vld [tilespmem:s23+$0x10];
	[tilespmem:s21+$0x20] =	vst v2  }
0x3e: {  	s24 =	sshra.s32 s24, $0x2;
	v6 =	vld [tilespmem:s23+$0xFFFFFFC0];
	[tilespmem:s21+$0xFFFFFFD0] =	vst v3;
	s21 =	smov.u32 s23  }
0x3f: {  	v1 =	vld.msk [tilespmem:s24+$0x100 ss:$0x0], $0xffff  }
0x40: {  	v9 =	vld [tilespmem:s23+$0xFFFFFFE0]  }
0x41: {  	v2 =	vld [tilespmem:s23+$0x20]  }
.Ltmp0:
0x42: {  	v3 =	vld [tilespmem:s23+$0xFFFFFFD0];
	(pc) =	sbr.rel @p0 .LBB2_3-.Ltmp0, $3  }
0x43: {  	v4 =	vld [tilespmem:s23+$0x0];
	_ =	sdelay $0x1  }
0x44: {  	v6 =	vmul.f32 v1, v6;
	v8 =	vmul.f32 v5, v1  }
0x45: {  	v7 =	vmul.f32 v7, v1;
	v5 =	vmul.f32 v9, v1  }
0x46: {  	[tilespmem:s21+$0x30] =	vst v8  }
0x47: {  	[tilespmem:s21+$0xFFFFFFC0] =	vst v6  }
0x48: {  	v0 =	vmul.f32 v0, v1;
	[tilespmem:s21+$0x10] =	vst v7  }
0x49: {  	v2 =	vmul.f32 v2, v1;
	[tilespmem:s21+$0xFFFFFFE0] =	vst v5  }
0x4a: {  	v63 =	vmul.f32 v3, v1;
	[tilespmem:s21+$0xFFFFFFF0] =	vst v0  }
0x4b: {  	s20 =	sadd.s32 $0x1, s20;
	v4 =	vmul.f32 v4, v1;
	[tilespmem:s21+$0x20] =	vst v2  }
0x4c: {  	p0 =	sne.s32 s20, $0x7D;
	[tilespmem:s21+$0xFFFFFFD0] =	vst v63  }
.Ltmp1:
0x4d: {  	[tilespmem:s21+$0x0] =	vst v4;
	(pc) =	sbr.rel @p0 .LBB2_2-.Ltmp1, $4  }
0x4e: {  	[spmem:s4] =	stream.indirect.scatter.add.f32 [tilespmem:s18], [sflag:$0x2], $0x80, s15, s17, $0xb8;
	[tilespmem:$0x17580] =	vst v63  }
0x4f: {  	_ =	swait.ge [sflag:s14], $0x2800  }
0x50: {  	[sflag:s14] =	ssyncset.done $0x0  }
0x51: {  	[sflag:s14] =	ssyncadd.s32 $0xFFFFD800  }
0x52: {  	s5 =	sadd.s32 $0x1, s5  }
0x53: {  	p0 =	sne.s32 s5, s12  }
.Ltmp2:
0x54: {  	[bflag:$0x0] =	sbarrier.arrive $0xFFFF;
	(pc) =	sbr.rel @p0 .LBB2_1-.Ltmp2, $4  }
0x55: {  	[hbm:s11], [sflag:s9] =	dma.local [spmem:s13], $0x2980  }
0x56: {  	_ =	swait.ge [sflag:s14], $0x2980  }
0x57: {  	[sflag:s14] =	ssyncset.done $0x0  }
0x58: {  	[sflag:s14] =	ssyncadd.s32 $0xFFFFD680  }
0x59: {  	_ =	sfence.sel $0x180000  }
0x5a: {  	[bflag:$0x0] =	sbarrier.arrive $0xFFFF  }
0x5b: {  	p0 =	sne.s32 s1, $0x0;
	_ =	strace $0x9000004A  }
0x5c: {  	s0 =	sadd.s32 @!p0 $0x100000, s0;
	[bflag:$0x2] =	sbarrier.arrive $0xFFFF  }
0x5d: {  	[sflag:s0] =	ssyncadd.tile.s32 @!p0 $0x1;
	_ =	shalt  }
.Lfunc_end2:
_tile_overlayer_lowered:
.L_overlay_start_2:
0x5e: {  	(tag) =	ssettag $0x2  }
0x5f: {  	s0 =	rddreg [dreg:$0x0];
	s2 =	stileid.u32  }
0x60: {  	s1 =	rddreg [dreg:$0x1];
	p0 =	sne.s32 s2, $0x0  }
0x61: {  	s3 =	rddreg [dreg:$0x2];
	[bflag:$0x3] =	sbarrier.arrive $0xFFFF;
	s2 =	simm.s32 @!p0 $0x1C02  }
0x62: {  	[timem:s3], [sflag:s2] =	dma.local @!p0 [hbm:s0], s1  }
0x63: {  	s0 =	simm.s32 @!p0 $0x2  }
0x64: {  	_ =	swait.ge @!p0 [sflag:s0], s1  }
0x65: {  	s1 =	ssub.s32 @!p0 $0x0, s1;
	[sflag:s0] =	ssyncset.done @!p0 $0x0  }
0x66: {  	[sflag:s0] =	ssyncadd.s32 @!p0 s1  }
0x67: {  	[bflag:$0x3] =	sbarrier.arrive $0xFFFF  }
0x68: {  	_ =	shalt  }

</sc_bundles>
